<compile_context>
chip_gen: v7x
topology: tpu7x:2x2x1
jax: 0.10.2.dev20260603
libtpu: 0.0.44.dev20260713+nightly
codegen_flags: <defaults>
</compile_context>

<pallas_src>
import functools

import jax
import jax.numpy as jnp
from jax import lax
from jax.experimental import pallas as pl
from jax.experimental.pallas import tpu as pltpu
from jax.experimental.pallas import tpu_sc as plsc

VOCAB = 1000000
BATCH = 16384
SEQ = 50
EMBED_DIM = 64
PAD_DIM = 128

NUM_CORES = 2
NUM_SUBCORES = 16
NUM_WORKERS = NUM_CORES * NUM_SUBCORES

ROWS_PER_W = BATCH // NUM_WORKERS
NBUF = 4
LANES = 16


def _make_gather():
    mesh = plsc.VectorSubcoreMesh(
        core_axis_name="c", subcore_axis_name="s",
        num_cores=NUM_CORES, num_subcores=NUM_SUBCORES,
    )

    def body(idx_hbm, tdup_hbm, out_hbm, idx_v, gbuf, sbuf, *sems):
        gsems = sems[:NBUF]
        ssems = sems[NBUF:]
        wid = lax.axis_index("s") * NUM_CORES + lax.axis_index("c")
        base = wid * ROWS_PER_W

        pltpu.sync_copy(idx_hbm.at[pl.ds(base, ROWS_PER_W)], idx_v)

        for b in range(NBUF):
            pltpu.async_copy(tdup_hbm.at[idx_v.at[b]], gbuf.at[b], gsems[b])

        @pl.loop(0, ROWS_PER_W, step=NBUF)
        def _group(g):
            for b in range(NBUF):
                pltpu.make_async_copy(
                    tdup_hbm.at[idx_v.at[b]], gbuf.at[b], gsems[b]
                ).wait()

                @pl.loop(0, SEQ)
                def _compact(s):
                    for c in range(EMBED_DIM // LANES):
                        sbuf[b, s, pl.ds(c * LANES, LANES)] = gbuf[
                            b, s, pl.ds(c * LANES, LANES)
                        ]

                pltpu.async_copy(sbuf.at[b], out_hbm.at[base + g + b], ssems[b])
            for b in range(NBUF):
                pltpu.make_async_copy(
                    sbuf.at[b], out_hbm.at[0], ssems[b]
                ).wait()

                @pl.when(g + NBUF + b < ROWS_PER_W)
                def _refill():
                    pltpu.async_copy(
                        tdup_hbm.at[idx_v.at[g + NBUF + b]],
                        gbuf.at[b],
                        gsems[b],
                    )

    return pl.kernel(
        body,
        out_type=jax.ShapeDtypeStruct((BATCH, SEQ, EMBED_DIM), jnp.float32),
        mesh=mesh,
        scratch_types=[
            pltpu.VMEM((ROWS_PER_W, SEQ), jnp.int32),
            pltpu.VMEM((NBUF, SEQ, PAD_DIM), jnp.float32),
            pltpu.VMEM((NBUF, SEQ, EMBED_DIM), jnp.float32),
        ]
        + [pltpu.SemaphoreType.DMA] * (2 * NBUF),
    )


@jax.jit
def _lookup(batch_input, table):
    tdup = jnp.pad(table, ((0, 0), (0, PAD_DIM - EMBED_DIM)))
    return _make_gather()(batch_input, tdup)


def kernel(lang, batch_input, table):
    del lang
    return _lookup(batch_input, table)

# --- scband reference (transcript-rebuilt; emitter-appended) ---
"""Pipeline reference for scband-xling-embedding-layer-335007449570 (READ-ONLY COPY).

The authoritative reference and input builder live on the scoring server;
editing this copy changes nothing except your own understanding.
"""

import jax, jax.numpy as jnp
import numpy as np

VOCAB = 1000000
EMBED_DIM = 64
BATCH = 16384
SEQ = 50


def setup_inputs(seed: int = 0) -> dict:
    key = jax.random.key(seed)
    k1, k2 = jax.random.split(key)
    batch_input = jax.random.randint(k1, (BATCH, SEQ), 0, VOCAB, dtype=jnp.int32)
    # Learned parameter: embedding table for the selected language (lang index 0).
    table = jax.random.normal(k2, (VOCAB, EMBED_DIM), dtype=jnp.float32) * 0.02
    return {"lang": 0, "batch_input": batch_input, "table": table}


def reference(lang, batch_input, table):
    # XlingEmbeddingLayer.forward dispatches to self.embeddings[self.lang_dict[lang]]
    # (falling back to embeddings[0]); with a single language table this is a
    # plain embedding lookup: table[batch_input].
    del lang  # single-table setup; lang selects table 0
    return jnp.take(table, batch_input, axis=0)

if __name__ == "__main__":
    import jax
    _d = setup_inputs()
    print(jax.jit(kernel)(*tuple(_d.values())))

</pallas_src>

<mosaic_0001>
#map = affine_map<(d0, d1) -> (0, 0)>
#map1 = affine_map<(d0, d1) -> (0, 0, 0)>
module attributes {stable_mosaic.version = 14 : i64} {
  func.func @body(%arg0: i32, %arg1: i32, %arg2: memref<16384x50xi32, #tpu.memory_space<hbm>>, %arg3: memref<1000000x128xf32, #tpu.memory_space<hbm>>, %arg4: memref<16384x50x64xf32, #tpu.memory_space<hbm>>, %arg5: memref<512x50xi32, #tpu.memory_space<vmem>>, %arg6: memref<4x50x128xf32, #tpu.memory_space<vmem>>, %arg7: memref<4x50x64xf32, #tpu.memory_space<vmem>>, %arg8: memref<!tpu.dma_semaphore, #tpu.memory_space<semaphore_mem>>, %arg9: memref<!tpu.dma_semaphore, #tpu.memory_space<semaphore_mem>>, %arg10: memref<!tpu.dma_semaphore, #tpu.memory_space<semaphore_mem>>, %arg11: memref<!tpu.dma_semaphore, #tpu.memory_space<semaphore_mem>>, %arg12: memref<!tpu.dma_semaphore, #tpu.memory_space<semaphore_mem>>, %arg13: memref<!tpu.dma_semaphore, #tpu.memory_space<semaphore_mem>>, %arg14: memref<!tpu.dma_semaphore, #tpu.memory_space<semaphore_mem>>, %arg15: memref<!tpu.dma_semaphore, #tpu.memory_space<semaphore_mem>>) attributes {dimension_semantics = [#tpu.dimension_semantics<core_parallel>, #tpu.dimension_semantics<subcore_parallel>], iteration_bounds = array<i64: 2, 16>, scalar_prefetch = 0 : i64, scratch_operands = 11 : i64, tpu.core_type = #tpu.core_type<sc_vector_subcore>, window_params = [{transform_indices = #map}, {transform_indices = #map}, {transform_indices = #map1}]} {
    %mul3A = arith.constant 2 : i32
    %mul3A_0 = arith.muli %arg1, %mul3A : i32
    %add3A = arith.addi %mul3A_0, %arg0 : i32
    %mul3A_1 = arith.constant 512 : i32
    %mul3A_2 = arith.muli %add3A, %mul3A_1 : i32
    "tpu.region"() ({
      %run_scoped3A = tpu.sem_alloc : memref<!tpu.dma_semaphore, #tpu.memory_space<semaphore_mem>>
      %dma_start3A_54 = arith.constant 0 : i32
      %dma_start3A_55 = tpu.memref_slice %arg2[%mul3A_2, %dma_start3A_54] : memref<16384x50xi32, #tpu.memory_space<hbm>> -> memref<512x50xi32, #tpu.memory_space<hbm>>
      %dma_start3A_56 = arith.constant 0 : i32
      %dma_start3A_57 = tpu.memref_slice %arg2[%mul3A_2, %dma_start3A_56] : memref<16384x50xi32, #tpu.memory_space<hbm>> -> memref<512x50xi32, #tpu.memory_space<hbm>>
      tpu.enqueue_dma source(%dma_start3A_57 : memref<512x50xi32, #tpu.memory_space<hbm>>) target(%arg5 : memref<512x50xi32, #tpu.memory_space<vmem>>) target_semaphore(%run_scoped3A : memref<!tpu.dma_semaphore, #tpu.memory_space<semaphore_mem>>)
      %dma_wait3A = arith.constant 0 : i32
      %dma_wait3A_58 = tpu.memref_slice %arg2[%mul3A_2, %dma_wait3A] : memref<16384x50xi32, #tpu.memory_space<hbm>> -> memref<512x50xi32, #tpu.memory_space<hbm>>
      %dma_wait3A_59 = arith.constant 0 : i32
      %dma_wait3A_60 = tpu.memref_slice %arg2[%mul3A_2, %dma_wait3A_59] : memref<16384x50xi32, #tpu.memory_space<hbm>> -> memref<512x50xi32, #tpu.memory_space<hbm>>
      tpu.wait_dma2 semaphore(%run_scoped3A : memref<!tpu.dma_semaphore, #tpu.memory_space<semaphore_mem>>) src(%dma_wait3A_60 : memref<512x50xi32, #tpu.memory_space<hbm>>) dst(%arg5 : memref<512x50xi32, #tpu.memory_space<vmem>>)
      tpu.yield
    }) : () -> ()
    %dma_start3A = arith.constant 0 : i32
    %dma_start3A_3 = arith.constant 0 : i32
    %dma_start3A_4 = arith.constant 0 : i32
    %dma_start3A_5 = arith.constant 0 : i32
    %dma_start3A_6 = tpu.memref_slice %arg6[%dma_start3A_3, %dma_start3A_4, %dma_start3A_5] : memref<4x50x128xf32, #tpu.memory_space<vmem>> -> memref<1x50x128xf32, #tpu.memory_space<vmem>>
    %dma_start3A_7 = tpu.memref_squeeze %dma_start3A_6 : memref<1x50x128xf32, #tpu.memory_space<vmem>> -> memref<50x128xf32, #tpu.memory_space<vmem>>
    %dma_start3A_8 = arith.constant 0 : i32
    %dma_start3A_9 = tpu.memref_slice %arg5[%dma_start3A, %dma_start3A_8] : memref<512x50xi32, #tpu.memory_space<vmem>> -> memref<1x50xi32, #tpu.memory_space<vmem>>
    %dma_start3A_10 = tpu.memref_squeeze %dma_start3A_9 : memref<1x50xi32, #tpu.memory_space<vmem>> -> memref<50xi32, #tpu.memory_space<vmem>>
    %dma_start3A_11 = arith.constant 0 : i32
    %dma_start3A_12 = arith.constant 0 : i32
    %dma_start3A_13 = tpu.memref_slice %arg3[%dma_start3A_11, %dma_start3A_12] : memref<1000000x128xf32, #tpu.memory_space<hbm>> -> memref<1000000x128xf32, #tpu.memory_space<hbm>>
    tpu.enqueue_indirect_dma source(%dma_start3A_13 : memref<1000000x128xf32, #tpu.memory_space<hbm>>) target(%dma_start3A_7 : memref<50x128xf32, #tpu.memory_space<vmem>>) offsets(%dma_start3A_10 : memref<50xi32, #tpu.memory_space<vmem>>) semaphore(%arg8 : memref<!tpu.dma_semaphore, #tpu.memory_space<semaphore_mem>>)
    %dma_start3A_14 = arith.constant 1 : i32
    %dma_start3A_15 = arith.constant 1 : i32
    %dma_start3A_16 = arith.constant 0 : i32
    %dma_start3A_17 = arith.constant 0 : i32
    %dma_start3A_18 = tpu.memref_slice %arg6[%dma_start3A_15, %dma_start3A_16, %dma_start3A_17] : memref<4x50x128xf32, #tpu.memory_space<vmem>> -> memref<1x50x128xf32, #tpu.memory_space<vmem>>
    %dma_start3A_19 = tpu.memref_squeeze %dma_start3A_18 : memref<1x50x128xf32, #tpu.memory_space<vmem>> -> memref<50x128xf32, #tpu.memory_space<vmem>>
    %dma_start3A_20 = arith.constant 0 : i32
    %dma_start3A_21 = tpu.memref_slice %arg5[%dma_start3A_14, %dma_start3A_20] : memref<512x50xi32, #tpu.memory_space<vmem>> -> memref<1x50xi32, #tpu.memory_space<vmem>>
    %dma_start3A_22 = tpu.memref_squeeze %dma_start3A_21 : memref<1x50xi32, #tpu.memory_space<vmem>> -> memref<50xi32, #tpu.memory_space<vmem>>
    %dma_start3A_23 = arith.constant 0 : i32
    %dma_start3A_24 = arith.constant 0 : i32
    %dma_start3A_25 = tpu.memref_slice %arg3[%dma_start3A_23, %dma_start3A_24] : memref<1000000x128xf32, #tpu.memory_space<hbm>> -> memref<1000000x128xf32, #tpu.memory_space<hbm>>
    tpu.enqueue_indirect_dma source(%dma_start3A_25 : memref<1000000x128xf32, #tpu.memory_space<hbm>>) target(%dma_start3A_19 : memref<50x128xf32, #tpu.memory_space<vmem>>) offsets(%dma_start3A_22 : memref<50xi32, #tpu.memory_space<vmem>>) semaphore(%arg9 : memref<!tpu.dma_semaphore, #tpu.memory_space<semaphore_mem>>)
    %dma_start3A_26 = arith.constant 2 : i32
    %dma_start3A_27 = arith.constant 2 : i32
    %dma_start3A_28 = arith.constant 0 : i32
    %dma_start3A_29 = arith.constant 0 : i32
    %dma_start3A_30 = tpu.memref_slice %arg6[%dma_start3A_27, %dma_start3A_28, %dma_start3A_29] : memref<4x50x128xf32, #tpu.memory_space<vmem>> -> memref<1x50x128xf32, #tpu.memory_space<vmem>>
    %dma_start3A_31 = tpu.memref_squeeze %dma_start3A_30 : memref<1x50x128xf32, #tpu.memory_space<vmem>> -> memref<50x128xf32, #tpu.memory_space<vmem>>
    %dma_start3A_32 = arith.constant 0 : i32
    %dma_start3A_33 = tpu.memref_slice %arg5[%dma_start3A_26, %dma_start3A_32] : memref<512x50xi32, #tpu.memory_space<vmem>> -> memref<1x50xi32, #tpu.memory_space<vmem>>
    %dma_start3A_34 = tpu.memref_squeeze %dma_start3A_33 : memref<1x50xi32, #tpu.memory_space<vmem>> -> memref<50xi32, #tpu.memory_space<vmem>>
    %dma_start3A_35 = arith.constant 0 : i32
    %dma_start3A_36 = arith.constant 0 : i32
    %dma_start3A_37 = tpu.memref_slice %arg3[%dma_start3A_35, %dma_start3A_36] : memref<1000000x128xf32, #tpu.memory_space<hbm>> -> memref<1000000x128xf32, #tpu.memory_space<hbm>>
    tpu.enqueue_indirect_dma source(%dma_start3A_37 : memref<1000000x128xf32, #tpu.memory_space<hbm>>) target(%dma_start3A_31 : memref<50x128xf32, #tpu.memory_space<vmem>>) offsets(%dma_start3A_34 : memref<50xi32, #tpu.memory_space<vmem>>) semaphore(%arg10 : memref<!tpu.dma_semaphore, #tpu.memory_space<semaphore_mem>>)
    %dma_start3A_38 = arith.constant 3 : i32
    %dma_start3A_39 = arith.constant 3 : i32
    %dma_start3A_40 = arith.constant 0 : i32
    %dma_start3A_41 = arith.constant 0 : i32
    %dma_start3A_42 = tpu.memref_slice %arg6[%dma_start3A_39, %dma_start3A_40, %dma_start3A_41] : memref<4x50x128xf32, #tpu.memory_space<vmem>> -> memref<1x50x128xf32, #tpu.memory_space<vmem>>
    %dma_start3A_43 = tpu.memref_squeeze %dma_start3A_42 : memref<1x50x128xf32, #tpu.memory_space<vmem>> -> memref<50x128xf32, #tpu.memory_space<vmem>>
    %dma_start3A_44 = arith.constant 0 : i32
    %dma_start3A_45 = tpu.memref_slice %arg5[%dma_start3A_38, %dma_start3A_44] : memref<512x50xi32, #tpu.memory_space<vmem>> -> memref<1x50xi32, #tpu.memory_space<vmem>>
    %dma_start3A_46 = tpu.memref_squeeze %dma_start3A_45 : memref<1x50xi32, #tpu.memory_space<vmem>> -> memref<50xi32, #tpu.memory_space<vmem>>
    %dma_start3A_47 = arith.constant 0 : i32
    %dma_start3A_48 = arith.constant 0 : i32
    %dma_start3A_49 = tpu.memref_slice %arg3[%dma_start3A_47, %dma_start3A_48] : memref<1000000x128xf32, #tpu.memory_space<hbm>> -> memref<1000000x128xf32, #tpu.memory_space<hbm>>
    tpu.enqueue_indirect_dma source(%dma_start3A_49 : memref<1000000x128xf32, #tpu.memory_space<hbm>>) target(%dma_start3A_43 : memref<50x128xf32, #tpu.memory_space<vmem>>) offsets(%dma_start3A_46 : memref<50xi32, #tpu.memory_space<vmem>>) semaphore(%arg11 : memref<!tpu.dma_semaphore, #tpu.memory_space<semaphore_mem>>)
    %scan3A = arith.constant 0 : i32
    %scan3A_50 = arith.constant 128 : i32
    %scan3A_51 = arith.addi %scan3A, %scan3A_50 : i32
    %scan3A_52 = arith.constant 1 : i32
    scf.for %scan3A_54 = %scan3A to %scan3A_51 step %scan3A_52  : i32 {
      %mul3A_55 = arith.constant 4 : i32
      %mul3A_56 = arith.muli %scan3A_54, %mul3A_55 : i32
      %add3A_57 = arith.constant 0 : i32
      %add3A_58 = arith.addi %add3A_57, %mul3A_56 : i32
      %dma_wait3A = arith.constant 0 : i32
      %dma_wait3A_59 = arith.constant 0 : i32
      %dma_wait3A_60 = arith.constant 0 : i32
      %dma_wait3A_61 = arith.constant 0 : i32
      %dma_wait3A_62 = tpu.memref_slice %arg6[%dma_wait3A_59, %dma_wait3A_60, %dma_wait3A_61] : memref<4x50x128xf32, #tpu.memory_space<vmem>> -> memref<1x50x128xf32, #tpu.memory_space<vmem>>
      %dma_wait3A_63 = tpu.memref_squeeze %dma_wait3A_62 : memref<1x50x128xf32, #tpu.memory_space<vmem>> -> memref<50x128xf32, #tpu.memory_space<vmem>>
      %dma_wait3A_64 = arith.constant 0 : i32
      %dma_wait3A_65 = tpu.memref_slice %arg5[%dma_wait3A, %dma_wait3A_64] : memref<512x50xi32, #tpu.memory_space<vmem>> -> memref<1x50xi32, #tpu.memory_space<vmem>>
      %dma_wait3A_66 = tpu.memref_squeeze %dma_wait3A_65 : memref<1x50xi32, #tpu.memory_space<vmem>> -> memref<50xi32, #tpu.memory_space<vmem>>
      %dma_wait3A_67 = arith.constant 0 : i32
      %dma_wait3A_68 = arith.constant 0 : i32
      %dma_wait3A_69 = tpu.memref_slice %arg3[%dma_wait3A_67, %dma_wait3A_68] : memref<1000000x128xf32, #tpu.memory_space<hbm>> -> memref<1000000x128xf32, #tpu.memory_space<hbm>>
      tpu.wait_indirect_dma semaphore(%arg8 : memref<!tpu.dma_semaphore, #tpu.memory_space<semaphore_mem>>) src(%dma_wait3A_69 : memref<1000000x128xf32, #tpu.memory_space<hbm>>) dst(%dma_wait3A_63 : memref<50x128xf32, #tpu.memory_space<vmem>>)
      %scan3A_70 = arith.constant 0 : i32
      %scan3A_71 = arith.constant 50 : i32
      %scan3A_72 = arith.addi %scan3A_70, %scan3A_71 : i32
      %scan3A_73 = arith.constant 1 : i32
      scf.for %scan3A_311 = %scan3A_70 to %scan3A_72 step %scan3A_73  : i32 {
        %mul3A_312 = arith.constant 1 : i32
        %mul3A_313 = arith.muli %scan3A_311, %mul3A_312 : i32
        %add3A_314 = arith.constant 0 : i32
        %add3A_315 = arith.addi %add3A_314, %mul3A_313 : i32
        %get3A = arith.constant 0 : i32
        %get3A_316 = arith.index_cast %get3A : i32 to index
        %get3A_317 = arith.index_cast %add3A_315 : i32 to index
        %get3A_318 = arith.constant 0 : index
        %get3A_319 = tpu.vector_load %arg6[%get3A_316, %get3A_317, %get3A_318] {strides = array<i32>} : memref<4x50x128xf32, #tpu.memory_space<vmem>>, vector<1x1x16xf32>,
        %get3A_320 = vector.shape_cast %get3A_319 : vector<1x1x16xf32> to vector<16xf32>
        %swap3A = arith.constant 0 : i32
        %swap3A_321 = arith.index_cast %swap3A : i32 to index
        %swap3A_322 = arith.index_cast %add3A_315 : i32 to index
        %swap3A_323 = arith.constant 0 : index
        %swap3A_324 = tpu.vector_load %arg7[%swap3A_321, %swap3A_322, %swap3A_323] {strides = array<i32>} : memref<4x50x64xf32, #tpu.memory_space<vmem>>, vector<1x1x16xf32>,
        %swap3A_325 = vector.shape_cast %swap3A_324 : vector<1x1x16xf32> to vector<16xf32>
        %swap3A_326 = vector.shape_cast %get3A_320 : vector<16xf32> to vector<1x1x16xf32>
        tpu.vector_store %arg7[%swap3A_321, %swap3A_322, %swap3A_323], %swap3A_326 {strides = array<i32>} : memref<4x50x64xf32, #tpu.memory_space<vmem>>, vector<1x1x16xf32>,
        %get3A_327 = arith.constant 0 : i32
        %get3A_328 = arith.index_cast %get3A_327 : i32 to index
        %get3A_329 = arith.index_cast %add3A_315 : i32 to index
        %get3A_330 = arith.constant 16 : index
        %get3A_331 = tpu.vector_load %arg6[%get3A_328, %get3A_329, %get3A_330] {strides = array<i32>} : memref<4x50x128xf32, #tpu.memory_space<vmem>>, vector<1x1x16xf32>,
        %get3A_332 = vector.shape_cast %get3A_331 : vector<1x1x16xf32> to vector<16xf32>
        %swap3A_333 = arith.constant 0 : i32
        %swap3A_334 = arith.index_cast %swap3A_333 : i32 to index
        %swap3A_335 = arith.index_cast %add3A_315 : i32 to index
        %swap3A_336 = arith.constant 16 : index
        %swap3A_337 = tpu.vector_load %arg7[%swap3A_334, %swap3A_335, %swap3A_336] {strides = array<i32>} : memref<4x50x64xf32, #tpu.memory_space<vmem>>, vector<1x1x16xf32>,
        %swap3A_338 = vector.shape_cast %swap3A_337 : vector<1x1x16xf32> to vector<16xf32>
        %swap3A_339 = vector.shape_cast %get3A_332 : vector<16xf32> to vector<1x1x16xf32>
        tpu.vector_store %arg7[%swap3A_334, %swap3A_335, %swap3A_336], %swap3A_339 {strides = array<i32>} : memref<4x50x64xf32, #tpu.memory_space<vmem>>, vector<1x1x16xf32>,
        %get3A_340 = arith.constant 0 : i32
        %get3A_341 = arith.index_cast %get3A_340 : i32 to index
        %get3A_342 = arith.index_cast %add3A_315 : i32 to index
        %get3A_343 = arith.constant 32 : index
        %get3A_344 = tpu.vector_load %arg6[%get3A_341, %get3A_342, %get3A_343] {strides = array<i32>} : memref<4x50x128xf32, #tpu.memory_space<vmem>>, vector<1x1x16xf32>,
        %get3A_345 = vector.shape_cast %get3A_344 : vector<1x1x16xf32> to vector<16xf32>
        %swap3A_346 = arith.constant 0 : i32
        %swap3A_347 = arith.index_cast %swap3A_346 : i32 to index
        %swap3A_348 = arith.index_cast %add3A_315 : i32 to index
        %swap3A_349 = arith.constant 32 : index
        %swap3A_350 = tpu.vector_load %arg7[%swap3A_347, %swap3A_348, %swap3A_349] {strides = array<i32>} : memref<4x50x64xf32, #tpu.memory_space<vmem>>, vector<1x1x16xf32>,
        %swap3A_351 = vector.shape_cast %swap3A_350 : vector<1x1x16xf32> to vector<16xf32>
        %swap3A_352 = vector.shape_cast %get3A_345 : vector<16xf32> to vector<1x1x16xf32>
        tpu.vector_store %arg7[%swap3A_347, %swap3A_348, %swap3A_349], %swap3A_352 {strides = array<i32>} : memref<4x50x64xf32, #tpu.memory_space<vmem>>, vector<1x1x16xf32>,
        %get3A_353 = arith.constant 0 : i32
        %get3A_354 = arith.index_cast %get3A_353 : i32 to index
        %get3A_355 = arith.index_cast %add3A_315 : i32 to index
        %get3A_356 = arith.constant 48 : index
        %get3A_357 = tpu.vector_load %arg6[%get3A_354, %get3A_355, %get3A_356] {strides = array<i32>} : memref<4x50x128xf32, #tpu.memory_space<vmem>>, vector<1x1x16xf32>,
        %get3A_358 = vector.shape_cast %get3A_357 : vector<1x1x16xf32> to vector<16xf32>
        %swap3A_359 = arith.constant 0 : i32
        %swap3A_360 = arith.index_cast %swap3A_359 : i32 to index
        %swap3A_361 = arith.index_cast %add3A_315 : i32 to index
        %swap3A_362 = arith.constant 48 : index
        %swap3A_363 = tpu.vector_load %arg7[%swap3A_360, %swap3A_361, %swap3A_362] {strides = array<i32>} : memref<4x50x64xf32, #tpu.memory_space<vmem>>, vector<1x1x16xf32>,
        %swap3A_364 = vector.shape_cast %swap3A_363 : vector<1x1x16xf32> to vector<16xf32>
        %swap3A_365 = vector.shape_cast %get3A_358 : vector<16xf32> to vector<1x1x16xf32>
        tpu.vector_store %arg7[%swap3A_360, %swap3A_361, %swap3A_362], %swap3A_365 {strides = array<i32>} : memref<4x50x64xf32, #tpu.memory_space<vmem>>, vector<1x1x16xf32>,
      }
      %scan3A_74 = arith.constant 50 : i32
      %add3A_75 = arith.addi %mul3A_2, %add3A_58 : i32
      %add3A_76 = arith.constant 0 : i32
      %add3A_77 = arith.addi %add3A_75, %add3A_76 : i32
      %dma_start3A_78 = arith.constant 0 : i32
      %dma_start3A_79 = arith.constant 0 : i32
      %dma_start3A_80 = arith.constant 0 : i32
      %dma_start3A_81 = tpu.memref_slice %arg7[%dma_start3A_78, %dma_start3A_79, %dma_start3A_80] : memref<4x50x64xf32, #tpu.memory_space<vmem>> -> memref<1x50x64xf32, #tpu.memory_space<vmem>>
      %dma_start3A_82 = tpu.memref_squeeze %dma_start3A_81 : memref<1x50x64xf32, #tpu.memory_space<vmem>> -> memref<50x64xf32, #tpu.memory_space<vmem>>
      %dma_start3A_83 = arith.constant 0 : i32
      %dma_start3A_84 = arith.constant 0 : i32
      %dma_start3A_85 = tpu.memref_slice %arg4[%add3A_77, %dma_start3A_83, %dma_start3A_84] : memref<16384x50x64xf32, #tpu.memory_space<hbm>> -> memref<1x50x64xf32, #tpu.memory_space<hbm>>
      %dma_start3A_86 = tpu.memref_squeeze %dma_start3A_85 : memref<1x50x64xf32, #tpu.memory_space<hbm>> -> memref<50x64xf32, #tpu.memory_space<hbm>>
      %dma_start3A_87 = arith.constant 0 : i32
      %dma_start3A_88 = arith.constant 0 : i32
      %dma_start3A_89 = tpu.memref_slice %arg4[%add3A_77, %dma_start3A_87, %dma_start3A_88] : memref<16384x50x64xf32, #tpu.memory_space<hbm>> -> memref<1x50x64xf32, #tpu.memory_space<hbm>>
      %dma_start3A_90 = tpu.memref_squeeze %dma_start3A_89 : memref<1x50x64xf32, #tpu.memory_space<hbm>> -> memref<50x64xf32, #tpu.memory_space<hbm>>
      %dma_start3A_91 = arith.constant 0 : i32
      %dma_start3A_92 = arith.constant 0 : i32
      %dma_start3A_93 = tpu.memref_slice %arg7[%dma_start3A_78, %dma_start3A_91, %dma_start3A_92] : memref<4x50x64xf32, #tpu.memory_space<vmem>> -> memref<1x50x64xf32, #tpu.memory_space<vmem>>
      %dma_start3A_94 = tpu.memref_squeeze %dma_start3A_93 : memref<1x50x64xf32, #tpu.memory_space<vmem>> -> memref<50x64xf32, #tpu.memory_space<vmem>>
      tpu.enqueue_dma source(%dma_start3A_94 : memref<50x64xf32, #tpu.memory_space<vmem>>) target(%dma_start3A_90 : memref<50x64xf32, #tpu.memory_space<hbm>>) target_semaphore(%arg12 : memref<!tpu.dma_semaphore, #tpu.memory_space<semaphore_mem>>)
      %dma_wait3A_95 = arith.constant 1 : i32
      %dma_wait3A_96 = arith.constant 1 : i32
      %dma_wait3A_97 = arith.constant 0 : i32
      %dma_wait3A_98 = arith.constant 0 : i32
      %dma_wait3A_99 = tpu.memref_slice %arg6[%dma_wait3A_96, %dma_wait3A_97, %dma_wait3A_98] : memref<4x50x128xf32, #tpu.memory_space<vmem>> -> memref<1x50x128xf32, #tpu.memory_space<vmem>>
      %dma_wait3A_100 = tpu.memref_squeeze %dma_wait3A_99 : memref<1x50x128xf32, #tpu.memory_space<vmem>> -> memref<50x128xf32, #tpu.memory_space<vmem>>
      %dma_wait3A_101 = arith.constant 0 : i32
      %dma_wait3A_102 = tpu.memref_slice %arg5[%dma_wait3A_95, %dma_wait3A_101] : memref<512x50xi32, #tpu.memory_space<vmem>> -> memref<1x50xi32, #tpu.memory_space<vmem>>
      %dma_wait3A_103 = tpu.memref_squeeze %dma_wait3A_102 : memref<1x50xi32, #tpu.memory_space<vmem>> -> memref<50xi32, #tpu.memory_space<vmem>>
      %dma_wait3A_104 = arith.constant 0 : i32
      %dma_wait3A_105 = arith.constant 0 : i32
      %dma_wait3A_106 = tpu.memref_slice %arg3[%dma_wait3A_104, %dma_wait3A_105] : memref<1000000x128xf32, #tpu.memory_space<hbm>> -> memref<1000000x128xf32, #tpu.memory_space<hbm>>
      tpu.wait_indirect_dma semaphore(%arg9 : memref<!tpu.dma_semaphore, #tpu.memory_space<semaphore_mem>>) src(%dma_wait3A_106 : memref<1000000x128xf32, #tpu.memory_space<hbm>>) dst(%dma_wait3A_100 : memref<50x128xf32, #tpu.memory_space<vmem>>)
      %scan3A_107 = arith.constant 0 : i32
      %scan3A_108 = arith.constant 50 : i32
      %scan3A_109 = arith.addi %scan3A_107, %scan3A_108 : i32
      %scan3A_110 = arith.constant 1 : i32
      scf.for %scan3A_311 = %scan3A_107 to %scan3A_109 step %scan3A_110  : i32 {
        %mul3A_312 = arith.constant 1 : i32
        %mul3A_313 = arith.muli %scan3A_311, %mul3A_312 : i32
        %add3A_314 = arith.constant 0 : i32
        %add3A_315 = arith.addi %add3A_314, %mul3A_313 : i32
        %get3A = arith.constant 1 : i32
        %get3A_316 = arith.index_cast %get3A : i32 to index
        %get3A_317 = arith.index_cast %add3A_315 : i32 to index
        %get3A_318 = arith.constant 0 : index
        %get3A_319 = tpu.vector_load %arg6[%get3A_316, %get3A_317, %get3A_318] {strides = array<i32>} : memref<4x50x128xf32, #tpu.memory_space<vmem>>, vector<1x1x16xf32>,
        %get3A_320 = vector.shape_cast %get3A_319 : vector<1x1x16xf32> to vector<16xf32>
        %swap3A = arith.constant 1 : i32
        %swap3A_321 = arith.index_cast %swap3A : i32 to index
        %swap3A_322 = arith.index_cast %add3A_315 : i32 to index
        %swap3A_323 = arith.constant 0 : index
        %swap3A_324 = tpu.vector_load %arg7[%swap3A_321, %swap3A_322, %swap3A_323] {strides = array<i32>} : memref<4x50x64xf32, #tpu.memory_space<vmem>>, vector<1x1x16xf32>,
        %swap3A_325 = vector.shape_cast %swap3A_324 : vector<1x1x16xf32> to vector<16xf32>
        %swap3A_326 = vector.shape_cast %get3A_320 : vector<16xf32> to vector<1x1x16xf32>
        tpu.vector_store %arg7[%swap3A_321, %swap3A_322, %swap3A_323], %swap3A_326 {strides = array<i32>} : memref<4x50x64xf32, #tpu.memory_space<vmem>>, vector<1x1x16xf32>,
        %get3A_327 = arith.constant 1 : i32
        %get3A_328 = arith.index_cast %get3A_327 : i32 to index
        %get3A_329 = arith.index_cast %add3A_315 : i32 to index
        %get3A_330 = arith.constant 16 : index
        %get3A_331 = tpu.vector_load %arg6[%get3A_328, %get3A_329, %get3A_330] {strides = array<i32>} : memref<4x50x128xf32, #tpu.memory_space<vmem>>, vector<1x1x16xf32>,
        %get3A_332 = vector.shape_cast %get3A_331 : vector<1x1x16xf32> to vector<16xf32>
        %swap3A_333 = arith.constant 1 : i32
        %swap3A_334 = arith.index_cast %swap3A_333 : i32 to index
        %swap3A_335 = arith.index_cast %add3A_315 : i32 to index
        %swap3A_336 = arith.constant 16 : index
        %swap3A_337 = tpu.vector_load %arg7[%swap3A_334, %swap3A_335, %swap3A_336] {strides = array<i32>} : memref<4x50x64xf32, #tpu.memory_space<vmem>>, vector<1x1x16xf32>,
        %swap3A_338 = vector.shape_cast %swap3A_337 : vector<1x1x16xf32> to vector<16xf32>
        %swap3A_339 = vector.shape_cast %get3A_332 : vector<16xf32> to vector<1x1x16xf32>
        tpu.vector_store %arg7[%swap3A_334, %swap3A_335, %swap3A_336], %swap3A_339 {strides = array<i32>} : memref<4x50x64xf32, #tpu.memory_space<vmem>>, vector<1x1x16xf32>,
        %get3A_340 = arith.constant 1 : i32
        %get3A_341 = arith.index_cast %get3A_340 : i32 to index
        %get3A_342 = arith.index_cast %add3A_315 : i32 to index
        %get3A_343 = arith.constant 32 : index
        %get3A_344 = tpu.vector_load %arg6[%get3A_341, %get3A_342, %get3A_343] {strides = array<i32>} : memref<4x50x128xf32, #tpu.memory_space<vmem>>, vector<1x1x16xf32>,
        %get3A_345 = vector.shape_cast %get3A_344 : vector<1x1x16xf32> to vector<16xf32>
        %swap3A_346 = arith.constant 1 : i32
        %swap3A_347 = arith.index_cast %swap3A_346 : i32 to index
        %swap3A_348 = arith.index_cast %add3A_315 : i32 to index
        %swap3A_349 = arith.constant 32 : index
        %swap3A_350 = tpu.vector_load %arg7[%swap3A_347, %swap3A_348, %swap3A_349] {strides = array<i32>} : memref<4x50x64xf32, #tpu.memory_space<vmem>>, vector<1x1x16xf32>,
        %swap3A_351 = vector.shape_cast %swap3A_350 : vector<1x1x16xf32> to vector<16xf32>
        %swap3A_352 = vector.shape_cast %get3A_345 : vector<16xf32> to vector<1x1x16xf32>
        tpu.vector_store %arg7[%swap3A_347, %swap3A_348, %swap3A_349], %swap3A_352 {strides = array<i32>} : memref<4x50x64xf32, #tpu.memory_space<vmem>>, vector<1x1x16xf32>,
        %get3A_353 = arith.constant 1 : i32
        %get3A_354 = arith.index_cast %get3A_353 : i32 to index
        %get3A_355 = arith.index_cast %add3A_315 : i32 to index
        %get3A_356 = arith.constant 48 : index
        %get3A_357 = tpu.vector_load %arg6[%get3A_354, %get3A_355, %get3A_356] {strides = array<i32>} : memref<4x50x128xf32, #tpu.memory_space<vmem>>, vector<1x1x16xf32>,
        %get3A_358 = vector.shape_cast %get3A_357 : vector<1x1x16xf32> to vector<16xf32>
        %swap3A_359 = arith.constant 1 : i32
        %swap3A_360 = arith.index_cast %swap3A_359 : i32 to index
        %swap3A_361 = arith.index_cast %add3A_315 : i32 to index
        %swap3A_362 = arith.constant 48 : index
        %swap3A_363 = tpu.vector_load %arg7[%swap3A_360, %swap3A_361, %swap3A_362] {strides = array<i32>} : memref<4x50x64xf32, #tpu.memory_space<vmem>>, vector<1x1x16xf32>,
        %swap3A_364 = vector.shape_cast %swap3A_363 : vector<1x1x16xf32> to vector<16xf32>
        %swap3A_365 = vector.shape_cast %get3A_358 : vector<16xf32> to vector<1x1x16xf32>
        tpu.vector_store %arg7[%swap3A_360, %swap3A_361, %swap3A_362], %swap3A_365 {strides = array<i32>} : memref<4x50x64xf32, #tpu.memory_space<vmem>>, vector<1x1x16xf32>,
      }
      %scan3A_111 = arith.constant 50 : i32
      %add3A_112 = arith.addi %mul3A_2, %add3A_58 : i32
      %add3A_113 = arith.constant 1 : i32
      %add3A_114 = arith.addi %add3A_112, %add3A_113 : i32
      %dma_start3A_115 = arith.constant 1 : i32
      %dma_start3A_116 = arith.constant 0 : i32
      %dma_start3A_117 = arith.constant 0 : i32
      %dma_start3A_118 = tpu.memref_slice %arg7[%dma_start3A_115, %dma_start3A_116, %dma_start3A_117] : memref<4x50x64xf32, #tpu.memory_space<vmem>> -> memref<1x50x64xf32, #tpu.memory_space<vmem>>
      %dma_start3A_119 = tpu.memref_squeeze %dma_start3A_118 : memref<1x50x64xf32, #tpu.memory_space<vmem>> -> memref<50x64xf32, #tpu.memory_space<vmem>>
      %dma_start3A_120 = arith.constant 0 : i32
      %dma_start3A_121 = arith.constant 0 : i32
      %dma_start3A_122 = tpu.memref_slice %arg4[%add3A_114, %dma_start3A_120, %dma_start3A_121] : memref<16384x50x64xf32, #tpu.memory_space<hbm>> -> memref<1x50x64xf32, #tpu.memory_space<hbm>>
      %dma_start3A_123 = tpu.memref_squeeze %dma_start3A_122 : memref<1x50x64xf32, #tpu.memory_space<hbm>> -> memref<50x64xf32, #tpu.memory_space<hbm>>
      %dma_start3A_124 = arith.constant 0 : i32
      %dma_start3A_125 = arith.constant 0 : i32
      %dma_start3A_126 = tpu.memref_slice %arg4[%add3A_114, %dma_start3A_124, %dma_start3A_125] : memref<16384x50x64xf32, #tpu.memory_space<hbm>> -> memref<1x50x64xf32, #tpu.memory_space<hbm>>
      %dma_start3A_127 = tpu.memref_squeeze %dma_start3A_126 : memref<1x50x64xf32, #tpu.memory_space<hbm>> -> memref<50x64xf32, #tpu.memory_space<hbm>>
      %dma_start3A_128 = arith.constant 0 : i32
      %dma_start3A_129 = arith.constant 0 : i32
      %dma_start3A_130 = tpu.memref_slice %arg7[%dma_start3A_115, %dma_start3A_128, %dma_start3A_129] : memref<4x50x64xf32, #tpu.memory_space<vmem>> -> memref<1x50x64xf32, #tpu.memory_space<vmem>>
      %dma_start3A_131 = tpu.memref_squeeze %dma_start3A_130 : memref<1x50x64xf32, #tpu.memory_space<vmem>> -> memref<50x64xf32, #tpu.memory_space<vmem>>
      tpu.enqueue_dma source(%dma_start3A_131 : memref<50x64xf32, #tpu.memory_space<vmem>>) target(%dma_start3A_127 : memref<50x64xf32, #tpu.memory_space<hbm>>) target_semaphore(%arg13 : memref<!tpu.dma_semaphore, #tpu.memory_space<semaphore_mem>>)
      %dma_wait3A_132 = arith.constant 2 : i32
      %dma_wait3A_133 = arith.constant 2 : i32
      %dma_wait3A_134 = arith.constant 0 : i32
      %dma_wait3A_135 = arith.constant 0 : i32
      %dma_wait3A_136 = tpu.memref_slice %arg6[%dma_wait3A_133, %dma_wait3A_134, %dma_wait3A_135] : memref<4x50x128xf32, #tpu.memory_space<vmem>> -> memref<1x50x128xf32, #tpu.memory_space<vmem>>
      %dma_wait3A_137 = tpu.memref_squeeze %dma_wait3A_136 : memref<1x50x128xf32, #tpu.memory_space<vmem>> -> memref<50x128xf32, #tpu.memory_space<vmem>>
      %dma_wait3A_138 = arith.constant 0 : i32
      %dma_wait3A_139 = tpu.memref_slice %arg5[%dma_wait3A_132, %dma_wait3A_138] : memref<512x50xi32, #tpu.memory_space<vmem>> -> memref<1x50xi32, #tpu.memory_space<vmem>>
      %dma_wait3A_140 = tpu.memref_squeeze %dma_wait3A_139 : memref<1x50xi32, #tpu.memory_space<vmem>> -> memref<50xi32, #tpu.memory_space<vmem>>
      %dma_wait3A_141 = arith.constant 0 : i32
      %dma_wait3A_142 = arith.constant 0 : i32
      %dma_wait3A_143 = tpu.memref_slice %arg3[%dma_wait3A_141, %dma_wait3A_142] : memref<1000000x128xf32, #tpu.memory_space<hbm>> -> memref<1000000x128xf32, #tpu.memory_space<hbm>>
      tpu.wait_indirect_dma semaphore(%arg10 : memref<!tpu.dma_semaphore, #tpu.memory_space<semaphore_mem>>) src(%dma_wait3A_143 : memref<1000000x128xf32, #tpu.memory_space<hbm>>) dst(%dma_wait3A_137 : memref<50x128xf32, #tpu.memory_space<vmem>>)
      %scan3A_144 = arith.constant 0 : i32
      %scan3A_145 = arith.constant 50 : i32
      %scan3A_146 = arith.addi %scan3A_144, %scan3A_145 : i32
      %scan3A_147 = arith.constant 1 : i32
      scf.for %scan3A_311 = %scan3A_144 to %scan3A_146 step %scan3A_147  : i32 {
        %mul3A_312 = arith.constant 1 : i32
        %mul3A_313 = arith.muli %scan3A_311, %mul3A_312 : i32
        %add3A_314 = arith.constant 0 : i32
        %add3A_315 = arith.addi %add3A_314, %mul3A_313 : i32
        %get3A = arith.constant 2 : i32
        %get3A_316 = arith.index_cast %get3A : i32 to index
        %get3A_317 = arith.index_cast %add3A_315 : i32 to index
        %get3A_318 = arith.constant 0 : index
        %get3A_319 = tpu.vector_load %arg6[%get3A_316, %get3A_317, %get3A_318] {strides = array<i32>} : memref<4x50x128xf32, #tpu.memory_space<vmem>>, vector<1x1x16xf32>,
        %get3A_320 = vector.shape_cast %get3A_319 : vector<1x1x16xf32> to vector<16xf32>
        %swap3A = arith.constant 2 : i32
        %swap3A_321 = arith.index_cast %swap3A : i32 to index
        %swap3A_322 = arith.index_cast %add3A_315 : i32 to index
        %swap3A_323 = arith.constant 0 : index
        %swap3A_324 = tpu.vector_load %arg7[%swap3A_321, %swap3A_322, %swap3A_323] {strides = array<i32>} : memref<4x50x64xf32, #tpu.memory_space<vmem>>, vector<1x1x16xf32>,
        %swap3A_325 = vector.shape_cast %swap3A_324 : vector<1x1x16xf32> to vector<16xf32>
        %swap3A_326 = vector.shape_cast %get3A_320 : vector<16xf32> to vector<1x1x16xf32>
        tpu.vector_store %arg7[%swap3A_321, %swap3A_322, %swap3A_323], %swap3A_326 {strides = array<i32>} : memref<4x50x64xf32, #tpu.memory_space<vmem>>, vector<1x1x16xf32>,
        %get3A_327 = arith.constant 2 : i32
        %get3A_328 = arith.index_cast %get3A_327 : i32 to index
        %get3A_329 = arith.index_cast %add3A_315 : i32 to index
        %get3A_330 = arith.constant 16 : index
        %get3A_331 = tpu.vector_load %arg6[%get3A_328, %get3A_329, %get3A_330] {strides = array<i32>} : memref<4x50x128xf32, #tpu.memory_space<vmem>>, vector<1x1x16xf32>,
        %get3A_332 = vector.shape_cast %get3A_331 : vector<1x1x16xf32> to vector<16xf32>
        %swap3A_333 = arith.constant 2 : i32
        %swap3A_334 = arith.index_cast %swap3A_333 : i32 to index
        %swap3A_335 = arith.index_cast %add3A_315 : i32 to index
        %swap3A_336 = arith.constant 16 : index
        %swap3A_337 = tpu.vector_load %arg7[%swap3A_334, %swap3A_335, %swap3A_336] {strides = array<i32>} : memref<4x50x64xf32, #tpu.memory_space<vmem>>, vector<1x1x16xf32>,
        %swap3A_338 = vector.shape_cast %swap3A_337 : vector<1x1x16xf32> to vector<16xf32>
        %swap3A_339 = vector.shape_cast %get3A_332 : vector<16xf32> to vector<1x1x16xf32>
        tpu.vector_store %arg7[%swap3A_334, %swap3A_335, %swap3A_336], %swap3A_339 {strides = array<i32>} : memref<4x50x64xf32, #tpu.memory_space<vmem>>, vector<1x1x16xf32>,
        %get3A_340 = arith.constant 2 : i32
        %get3A_341 = arith.index_cast %get3A_340 : i32 to index
        %get3A_342 = arith.index_cast %add3A_315 : i32 to index
        %get3A_343 = arith.constant 32 : index
        %get3A_344 = tpu.vector_load %arg6[%get3A_341, %get3A_342, %get3A_343] {strides = array<i32>} : memref<4x50x128xf32, #tpu.memory_space<vmem>>, vector<1x1x16xf32>,
        %get3A_345 = vector.shape_cast %get3A_344 : vector<1x1x16xf32> to vector<16xf32>
        %swap3A_346 = arith.constant 2 : i32
        %swap3A_347 = arith.index_cast %swap3A_346 : i32 to index
        %swap3A_348 = arith.index_cast %add3A_315 : i32 to index
        %swap3A_349 = arith.constant 32 : index
        %swap3A_350 = tpu.vector_load %arg7[%swap3A_347, %swap3A_348, %swap3A_349] {strides = array<i32>} : memref<4x50x64xf32, #tpu.memory_space<vmem>>, vector<1x1x16xf32>,
        %swap3A_351 = vector.shape_cast %swap3A_350 : vector<1x1x16xf32> to vector<16xf32>
        %swap3A_352 = vector.shape_cast %get3A_345 : vector<16xf32> to vector<1x1x16xf32>
        tpu.vector_store %arg7[%swap3A_347, %swap3A_348, %swap3A_349], %swap3A_352 {strides = array<i32>} : memref<4x50x64xf32, #tpu.memory_space<vmem>>, vector<1x1x16xf32>,
        %get3A_353 = arith.constant 2 : i32
        %get3A_354 = arith.index_cast %get3A_353 : i32 to index
        %get3A_355 = arith.index_cast %add3A_315 : i32 to index
        %get3A_356 = arith.constant 48 : index
        %get3A_357 = tpu.vector_load %arg6[%get3A_354, %get3A_355, %get3A_356] {strides = array<i32>} : memref<4x50x128xf32, #tpu.memory_space<vmem>>, vector<1x1x16xf32>,
        %get3A_358 = vector.shape_cast %get3A_357 : vector<1x1x16xf32> to vector<16xf32>
        %swap3A_359 = arith.constant 2 : i32
        %swap3A_360 = arith.index_cast %swap3A_359 : i32 to index
        %swap3A_361 = arith.index_cast %add3A_315 : i32 to index
        %swap3A_362 = arith.constant 48 : index
        %swap3A_363 = tpu.vector_load %arg7[%swap3A_360, %swap3A_361, %swap3A_362] {strides = array<i32>} : memref<4x50x64xf32, #tpu.memory_space<vmem>>, vector<1x1x16xf32>,
        %swap3A_364 = vector.shape_cast %swap3A_363 : vector<1x1x16xf32> to vector<16xf32>
        %swap3A_365 = vector.shape_cast %get3A_358 : vector<16xf32> to vector<1x1x16xf32>
        tpu.vector_store %arg7[%swap3A_360, %swap3A_361, %swap3A_362], %swap3A_365 {strides = array<i32>} : memref<4x50x64xf32, #tpu.memory_space<vmem>>, vector<1x1x16xf32>,
      }
      %scan3A_148 = arith.constant 50 : i32
      %add3A_149 = arith.addi %mul3A_2, %add3A_58 : i32
      %add3A_150 = arith.constant 2 : i32
      %add3A_151 = arith.addi %add3A_149, %add3A_150 : i32
      %dma_start3A_152 = arith.constant 2 : i32
      %dma_start3A_153 = arith.constant 0 : i32
      %dma_start3A_154 = arith.constant 0 : i32
      %dma_start3A_155 = tpu.memref_slice %arg7[%dma_start3A_152, %dma_start3A_153, %dma_start3A_154] : memref<4x50x64xf32, #tpu.memory_space<vmem>> -> memref<1x50x64xf32, #tpu.memory_space<vmem>>
      %dma_start3A_156 = tpu.memref_squeeze %dma_start3A_155 : memref<1x50x64xf32, #tpu.memory_space<vmem>> -> memref<50x64xf32, #tpu.memory_space<vmem>>
      %dma_start3A_157 = arith.constant 0 : i32
      %dma_start3A_158 = arith.constant 0 : i32
      %dma_start3A_159 = tpu.memref_slice %arg4[%add3A_151, %dma_start3A_157, %dma_start3A_158] : memref<16384x50x64xf32, #tpu.memory_space<hbm>> -> memref<1x50x64xf32, #tpu.memory_space<hbm>>
      %dma_start3A_160 = tpu.memref_squeeze %dma_start3A_159 : memref<1x50x64xf32, #tpu.memory_space<hbm>> -> memref<50x64xf32, #tpu.memory_space<hbm>>
      %dma_start3A_161 = arith.constant 0 : i32
      %dma_start3A_162 = arith.constant 0 : i32
      %dma_start3A_163 = tpu.memref_slice %arg4[%add3A_151, %dma_start3A_161, %dma_start3A_162] : memref<16384x50x64xf32, #tpu.memory_space<hbm>> -> memref<1x50x64xf32, #tpu.memory_space<hbm>>
      %dma_start3A_164 = tpu.memref_squeeze %dma_start3A_163 : memref<1x50x64xf32, #tpu.memory_space<hbm>> -> memref<50x64xf32, #tpu.memory_space<hbm>>
      %dma_start3A_165 = arith.constant 0 : i32
      %dma_start3A_166 = arith.constant 0 : i32
      %dma_start3A_167 = tpu.memref_slice %arg7[%dma_start3A_152, %dma_start3A_165, %dma_start3A_166] : memref<4x50x64xf32, #tpu.memory_space<vmem>> -> memref<1x50x64xf32, #tpu.memory_space<vmem>>
      %dma_start3A_168 = tpu.memref_squeeze %dma_start3A_167 : memref<1x50x64xf32, #tpu.memory_space<vmem>> -> memref<50x64xf32, #tpu.memory_space<vmem>>
      tpu.enqueue_dma source(%dma_start3A_168 : memref<50x64xf32, #tpu.memory_space<vmem>>) target(%dma_start3A_164 : memref<50x64xf32, #tpu.memory_space<hbm>>) target_semaphore(%arg14 : memref<!tpu.dma_semaphore, #tpu.memory_space<semaphore_mem>>)
      %dma_wait3A_169 = arith.constant 3 : i32
      %dma_wait3A_170 = arith.constant 3 : i32
      %dma_wait3A_171 = arith.constant 0 : i32
      %dma_wait3A_172 = arith.constant 0 : i32
      %dma_wait3A_173 = tpu.memref_slice %arg6[%dma_wait3A_170, %dma_wait3A_171, %dma_wait3A_172] : memref<4x50x128xf32, #tpu.memory_space<vmem>> -> memref<1x50x128xf32, #tpu.memory_space<vmem>>
      %dma_wait3A_174 = tpu.memref_squeeze %dma_wait3A_173 : memref<1x50x128xf32, #tpu.memory_space<vmem>> -> memref<50x128xf32, #tpu.memory_space<vmem>>
      %dma_wait3A_175 = arith.constant 0 : i32
      %dma_wait3A_176 = tpu.memref_slice %arg5[%dma_wait3A_169, %dma_wait3A_175] : memref<512x50xi32, #tpu.memory_space<vmem>> -> memref<1x50xi32, #tpu.memory_space<vmem>>
      %dma_wait3A_177 = tpu.memref_squeeze %dma_wait3A_176 : memref<1x50xi32, #tpu.memory_space<vmem>> -> memref<50xi32, #tpu.memory_space<vmem>>
      %dma_wait3A_178 = arith.constant 0 : i32
      %dma_wait3A_179 = arith.constant 0 : i32
      %dma_wait3A_180 = tpu.memref_slice %arg3[%dma_wait3A_178, %dma_wait3A_179] : memref<1000000x128xf32, #tpu.memory_space<hbm>> -> memref<1000000x128xf32, #tpu.memory_space<hbm>>
      tpu.wait_indirect_dma semaphore(%arg11 : memref<!tpu.dma_semaphore, #tpu.memory_space<semaphore_mem>>) src(%dma_wait3A_180 : memref<1000000x128xf32, #tpu.memory_space<hbm>>) dst(%dma_wait3A_174 : memref<50x128xf32, #tpu.memory_space<vmem>>)
      %scan3A_181 = arith.constant 0 : i32
      %scan3A_182 = arith.constant 50 : i32
      %scan3A_183 = arith.addi %scan3A_181, %scan3A_182 : i32
      %scan3A_184 = arith.constant 1 : i32
      scf.for %scan3A_311 = %scan3A_181 to %scan3A_183 step %scan3A_184  : i32 {
        %mul3A_312 = arith.constant 1 : i32
        %mul3A_313 = arith.muli %scan3A_311, %mul3A_312 : i32
        %add3A_314 = arith.constant 0 : i32
        %add3A_315 = arith.addi %add3A_314, %mul3A_313 : i32
        %get3A = arith.constant 3 : i32
        %get3A_316 = arith.index_cast %get3A : i32 to index
        %get3A_317 = arith.index_cast %add3A_315 : i32 to index
        %get3A_318 = arith.constant 0 : index
        %get3A_319 = tpu.vector_load %arg6[%get3A_316, %get3A_317, %get3A_318] {strides = array<i32>} : memref<4x50x128xf32, #tpu.memory_space<vmem>>, vector<1x1x16xf32>,
        %get3A_320 = vector.shape_cast %get3A_319 : vector<1x1x16xf32> to vector<16xf32>
        %swap3A = arith.constant 3 : i32
        %swap3A_321 = arith.index_cast %swap3A : i32 to index
        %swap3A_322 = arith.index_cast %add3A_315 : i32 to index
        %swap3A_323 = arith.constant 0 : index
        %swap3A_324 = tpu.vector_load %arg7[%swap3A_321, %swap3A_322, %swap3A_323] {strides = array<i32>} : memref<4x50x64xf32, #tpu.memory_space<vmem>>, vector<1x1x16xf32>,
        %swap3A_325 = vector.shape_cast %swap3A_324 : vector<1x1x16xf32> to vector<16xf32>
        %swap3A_326 = vector.shape_cast %get3A_320 : vector<16xf32> to vector<1x1x16xf32>
        tpu.vector_store %arg7[%swap3A_321, %swap3A_322, %swap3A_323], %swap3A_326 {strides = array<i32>} : memref<4x50x64xf32, #tpu.memory_space<vmem>>, vector<1x1x16xf32>,
        %get3A_327 = arith.constant 3 : i32
        %get3A_328 = arith.index_cast %get3A_327 : i32 to index
        %get3A_329 = arith.index_cast %add3A_315 : i32 to index
        %get3A_330 = arith.constant 16 : index
        %get3A_331 = tpu.vector_load %arg6[%get3A_328, %get3A_329, %get3A_330] {strides = array<i32>} : memref<4x50x128xf32, #tpu.memory_space<vmem>>, vector<1x1x16xf32>,
        %get3A_332 = vector.shape_cast %get3A_331 : vector<1x1x16xf32> to vector<16xf32>
        %swap3A_333 = arith.constant 3 : i32
        %swap3A_334 = arith.index_cast %swap3A_333 : i32 to index
        %swap3A_335 = arith.index_cast %add3A_315 : i32 to index
        %swap3A_336 = arith.constant 16 : index
        %swap3A_337 = tpu.vector_load %arg7[%swap3A_334, %swap3A_335, %swap3A_336] {strides = array<i32>} : memref<4x50x64xf32, #tpu.memory_space<vmem>>, vector<1x1x16xf32>,
        %swap3A_338 = vector.shape_cast %swap3A_337 : vector<1x1x16xf32> to vector<16xf32>
        %swap3A_339 = vector.shape_cast %get3A_332 : vector<16xf32> to vector<1x1x16xf32>
        tpu.vector_store %arg7[%swap3A_334, %swap3A_335, %swap3A_336], %swap3A_339 {strides = array<i32>} : memref<4x50x64xf32, #tpu.memory_space<vmem>>, vector<1x1x16xf32>,
        %get3A_340 = arith.constant 3 : i32
        %get3A_341 = arith.index_cast %get3A_340 : i32 to index
        %get3A_342 = arith.index_cast %add3A_315 : i32 to index
        %get3A_343 = arith.constant 32 : index
        %get3A_344 = tpu.vector_load %arg6[%get3A_341, %get3A_342, %get3A_343] {strides = array<i32>} : memref<4x50x128xf32, #tpu.memory_space<vmem>>, vector<1x1x16xf32>,
        %get3A_345 = vector.shape_cast %get3A_344 : vector<1x1x16xf32> to vector<16xf32>
        %swap3A_346 = arith.constant 3 : i32
        %swap3A_347 = arith.index_cast %swap3A_346 : i32 to index
        %swap3A_348 = arith.index_cast %add3A_315 : i32 to index
        %swap3A_349 = arith.constant 32 : index
        %swap3A_350 = tpu.vector_load %arg7[%swap3A_347, %swap3A_348, %swap3A_349] {strides = array<i32>} : memref<4x50x64xf32, #tpu.memory_space<vmem>>, vector<1x1x16xf32>,
        %swap3A_351 = vector.shape_cast %swap3A_350 : vector<1x1x16xf32> to vector<16xf32>
        %swap3A_352 = vector.shape_cast %get3A_345 : vector<16xf32> to vector<1x1x16xf32>
        tpu.vector_store %arg7[%swap3A_347, %swap3A_348, %swap3A_349], %swap3A_352 {strides = array<i32>} : memref<4x50x64xf32, #tpu.memory_space<vmem>>, vector<1x1x16xf32>,
        %get3A_353 = arith.constant 3 : i32
        %get3A_354 = arith.index_cast %get3A_353 : i32 to index
        %get3A_355 = arith.index_cast %add3A_315 : i32 to index
        %get3A_356 = arith.constant 48 : index
        %get3A_357 = tpu.vector_load %arg6[%get3A_354, %get3A_355, %get3A_356] {strides = array<i32>} : memref<4x50x128xf32, #tpu.memory_space<vmem>>, vector<1x1x16xf32>,
        %get3A_358 = vector.shape_cast %get3A_357 : vector<1x1x16xf32> to vector<16xf32>
        %swap3A_359 = arith.constant 3 : i32
        %swap3A_360 = arith.index_cast %swap3A_359 : i32 to index
        %swap3A_361 = arith.index_cast %add3A_315 : i32 to index
        %swap3A_362 = arith.constant 48 : index
        %swap3A_363 = tpu.vector_load %arg7[%swap3A_360, %swap3A_361, %swap3A_362] {strides = array<i32>} : memref<4x50x64xf32, #tpu.memory_space<vmem>>, vector<1x1x16xf32>,
        %swap3A_364 = vector.shape_cast %swap3A_363 : vector<1x1x16xf32> to vector<16xf32>
        %swap3A_365 = vector.shape_cast %get3A_358 : vector<16xf32> to vector<1x1x16xf32>
        tpu.vector_store %arg7[%swap3A_360, %swap3A_361, %swap3A_362], %swap3A_365 {strides = array<i32>} : memref<4x50x64xf32, #tpu.memory_space<vmem>>, vector<1x1x16xf32>,
      }
      %scan3A_185 = arith.constant 50 : i32
      %add3A_186 = arith.addi %mul3A_2, %add3A_58 : i32
      %add3A_187 = arith.constant 3 : i32
      %add3A_188 = arith.addi %add3A_186, %add3A_187 : i32
      %dma_start3A_189 = arith.constant 3 : i32
      %dma_start3A_190 = arith.constant 0 : i32
      %dma_start3A_191 = arith.constant 0 : i32
      %dma_start3A_192 = tpu.memref_slice %arg7[%dma_start3A_189, %dma_start3A_190, %dma_start3A_191] : memref<4x50x64xf32, #tpu.memory_space<vmem>> -> memref<1x50x64xf32, #tpu.memory_space<vmem>>
      %dma_start3A_193 = tpu.memref_squeeze %dma_start3A_192 : memref<1x50x64xf32, #tpu.memory_space<vmem>> -> memref<50x64xf32, #tpu.memory_space<vmem>>
      %dma_start3A_194 = arith.constant 0 : i32
      %dma_start3A_195 = arith.constant 0 : i32
      %dma_start3A_196 = tpu.memref_slice %arg4[%add3A_188, %dma_start3A_194, %dma_start3A_195] : memref<16384x50x64xf32, #tpu.memory_space<hbm>> -> memref<1x50x64xf32, #tpu.memory_space<hbm>>
      %dma_start3A_197 = tpu.memref_squeeze %dma_start3A_196 : memref<1x50x64xf32, #tpu.memory_space<hbm>> -> memref<50x64xf32, #tpu.memory_space<hbm>>
      %dma_start3A_198 = arith.constant 0 : i32
      %dma_start3A_199 = arith.constant 0 : i32
      %dma_start3A_200 = tpu.memref_slice %arg4[%add3A_188, %dma_start3A_198, %dma_start3A_199] : memref<16384x50x64xf32, #tpu.memory_space<hbm>> -> memref<1x50x64xf32, #tpu.memory_space<hbm>>
      %dma_start3A_201 = tpu.memref_squeeze %dma_start3A_200 : memref<1x50x64xf32, #tpu.memory_space<hbm>> -> memref<50x64xf32, #tpu.memory_space<hbm>>
      %dma_start3A_202 = arith.constant 0 : i32
      %dma_start3A_203 = arith.constant 0 : i32
      %dma_start3A_204 = tpu.memref_slice %arg7[%dma_start3A_189, %dma_start3A_202, %dma_start3A_203] : memref<4x50x64xf32, #tpu.memory_space<vmem>> -> memref<1x50x64xf32, #tpu.memory_space<vmem>>
      %dma_start3A_205 = tpu.memref_squeeze %dma_start3A_204 : memref<1x50x64xf32, #tpu.memory_space<vmem>> -> memref<50x64xf32, #tpu.memory_space<vmem>>
      tpu.enqueue_dma source(%dma_start3A_205 : memref<50x64xf32, #tpu.memory_space<vmem>>) target(%dma_start3A_201 : memref<50x64xf32, #tpu.memory_space<hbm>>) target_semaphore(%arg15 : memref<!tpu.dma_semaphore, #tpu.memory_space<semaphore_mem>>)
      %dma_wait3A_206 = arith.constant 0 : i32
      %dma_wait3A_207 = arith.constant 0 : i32
      %dma_wait3A_208 = arith.constant 0 : i32
      %dma_wait3A_209 = arith.constant 0 : i32
      %dma_wait3A_210 = tpu.memref_slice %arg7[%dma_wait3A_206, %dma_wait3A_208, %dma_wait3A_209] : memref<4x50x64xf32, #tpu.memory_space<vmem>> -> memref<1x50x64xf32, #tpu.memory_space<vmem>>
      %dma_wait3A_211 = tpu.memref_squeeze %dma_wait3A_210 : memref<1x50x64xf32, #tpu.memory_space<vmem>> -> memref<50x64xf32, #tpu.memory_space<vmem>>
      %dma_wait3A_212 = arith.constant 0 : i32
      %dma_wait3A_213 = arith.constant 0 : i32
      %dma_wait3A_214 = tpu.memref_slice %arg4[%dma_wait3A_207, %dma_wait3A_212, %dma_wait3A_213] : memref<16384x50x64xf32, #tpu.memory_space<hbm>> -> memref<1x50x64xf32, #tpu.memory_space<hbm>>
      %dma_wait3A_215 = tpu.memref_squeeze %dma_wait3A_214 : memref<1x50x64xf32, #tpu.memory_space<hbm>> -> memref<50x64xf32, #tpu.memory_space<hbm>>
      %dma_wait3A_216 = arith.constant 0 : i32
      %dma_wait3A_217 = arith.constant 0 : i32
      %dma_wait3A_218 = tpu.memref_slice %arg4[%dma_wait3A_207, %dma_wait3A_216, %dma_wait3A_217] : memref<16384x50x64xf32, #tpu.memory_space<hbm>> -> memref<1x50x64xf32, #tpu.memory_space<hbm>>
      %dma_wait3A_219 = tpu.memref_squeeze %dma_wait3A_218 : memref<1x50x64xf32, #tpu.memory_space<hbm>> -> memref<50x64xf32, #tpu.memory_space<hbm>>
      %dma_wait3A_220 = arith.constant 0 : i32
      %dma_wait3A_221 = arith.constant 0 : i32
      %dma_wait3A_222 = tpu.memref_slice %arg7[%dma_wait3A_206, %dma_wait3A_220, %dma_wait3A_221] : memref<4x50x64xf32, #tpu.memory_space<vmem>> -> memref<1x50x64xf32, #tpu.memory_space<vmem>>
      %dma_wait3A_223 = tpu.memref_squeeze %dma_wait3A_222 : memref<1x50x64xf32, #tpu.memory_space<vmem>> -> memref<50x64xf32, #tpu.memory_space<vmem>>
      tpu.wait_dma2 semaphore(%arg12 : memref<!tpu.dma_semaphore, #tpu.memory_space<semaphore_mem>>) src(%dma_wait3A_223 : memref<50x64xf32, #tpu.memory_space<vmem>>) dst(%dma_wait3A_219 : memref<50x64xf32, #tpu.memory_space<hbm>>)
      %add3A_224 = arith.constant 4 : i32
      %add3A_225 = arith.addi %add3A_58, %add3A_224 : i32
      %add3A_226 = arith.constant 0 : i32
      %add3A_227 = arith.addi %add3A_225, %add3A_226 : i32
      %lt3A = arith.constant 512 : i32
      %lt3A_228 = arith.cmpi slt, %add3A_227, %lt3A : i32
      %convert_element_type3A = arith.extui %lt3A_228 : i1 to i32
      %cond3A = arith.constant 0 : i32
      %cond3A_229 = arith.cmpi ne, %convert_element_type3A, %cond3A : i32
      scf.if %cond3A_229 {
        %add3A_311 = arith.constant 4 : i32
        %add3A_312 = arith.addi %add3A_58, %add3A_311 : i32
        %add3A_313 = arith.constant 0 : i32
        %add3A_314 = arith.addi %add3A_312, %add3A_313 : i32
        %dma_start3A_315 = arith.constant 0 : i32
        %dma_start3A_316 = arith.constant 0 : i32
        %dma_start3A_317 = arith.constant 0 : i32
        %dma_start3A_318 = tpu.memref_slice %arg6[%dma_start3A_315, %dma_start3A_316, %dma_start3A_317] : memref<4x50x128xf32, #tpu.memory_space<vmem>> -> memref<1x50x128xf32, #tpu.memory_space<vmem>>
        %dma_start3A_319 = tpu.memref_squeeze %dma_start3A_318 : memref<1x50x128xf32, #tpu.memory_space<vmem>> -> memref<50x128xf32, #tpu.memory_space<vmem>>
        %dma_start3A_320 = arith.constant 0 : i32
        %dma_start3A_321 = tpu.memref_slice %arg5[%add3A_314, %dma_start3A_320] : memref<512x50xi32, #tpu.memory_space<vmem>> -> memref<1x50xi32, #tpu.memory_space<vmem>>
        %dma_start3A_322 = tpu.memref_squeeze %dma_start3A_321 : memref<1x50xi32, #tpu.memory_space<vmem>> -> memref<50xi32, #tpu.memory_space<vmem>>
        %dma_start3A_323 = arith.constant 0 : i32
        %dma_start3A_324 = arith.constant 0 : i32
        %dma_start3A_325 = tpu.memref_slice %arg3[%dma_start3A_323, %dma_start3A_324] : memref<1000000x128xf32, #tpu.memory_space<hbm>> -> memref<1000000x128xf32, #tpu.memory_space<hbm>>
        tpu.enqueue_indirect_dma source(%dma_start3A_325 : memref<1000000x128xf32, #tpu.memory_space<hbm>>) target(%dma_start3A_319 : memref<50x128xf32, #tpu.memory_space<vmem>>) offsets(%dma_start3A_322 : memref<50xi32, #tpu.memory_space<vmem>>) semaphore(%arg8 : memref<!tpu.dma_semaphore, #tpu.memory_space<semaphore_mem>>)
      } else {
      }
      %dma_wait3A_230 = arith.constant 1 : i32
      %dma_wait3A_231 = arith.constant 0 : i32
      %dma_wait3A_232 = arith.constant 0 : i32
      %dma_wait3A_233 = arith.constant 0 : i32
      %dma_wait3A_234 = tpu.memref_slice %arg7[%dma_wait3A_230, %dma_wait3A_232, %dma_wait3A_233] : memref<4x50x64xf32, #tpu.memory_space<vmem>> -> memref<1x50x64xf32, #tpu.memory_space<vmem>>
      %dma_wait3A_235 = tpu.memref_squeeze %dma_wait3A_234 : memref<1x50x64xf32, #tpu.memory_space<vmem>> -> memref<50x64xf32, #tpu.memory_space<vmem>>
      %dma_wait3A_236 = arith.constant 0 : i32
      %dma_wait3A_237 = arith.constant 0 : i32
      %dma_wait3A_238 = tpu.memref_slice %arg4[%dma_wait3A_231, %dma_wait3A_236, %dma_wait3A_237] : memref<16384x50x64xf32, #tpu.memory_space<hbm>> -> memref<1x50x64xf32, #tpu.memory_space<hbm>>
      %dma_wait3A_239 = tpu.memref_squeeze %dma_wait3A_238 : memref<1x50x64xf32, #tpu.memory_space<hbm>> -> memref<50x64xf32, #tpu.memory_space<hbm>>
      %dma_wait3A_240 = arith.constant 0 : i32
      %dma_wait3A_241 = arith.constant 0 : i32
      %dma_wait3A_242 = tpu.memref_slice %arg4[%dma_wait3A_231, %dma_wait3A_240, %dma_wait3A_241] : memref<16384x50x64xf32, #tpu.memory_space<hbm>> -> memref<1x50x64xf32, #tpu.memory_space<hbm>>
      %dma_wait3A_243 = tpu.memref_squeeze %dma_wait3A_242 : memref<1x50x64xf32, #tpu.memory_space<hbm>> -> memref<50x64xf32, #tpu.memory_space<hbm>>
      %dma_wait3A_244 = arith.constant 0 : i32
      %dma_wait3A_245 = arith.constant 0 : i32
      %dma_wait3A_246 = tpu.memref_slice %arg7[%dma_wait3A_230, %dma_wait3A_244, %dma_wait3A_245] : memref<4x50x64xf32, #tpu.memory_space<vmem>> -> memref<1x50x64xf32, #tpu.memory_space<vmem>>
      %dma_wait3A_247 = tpu.memref_squeeze %dma_wait3A_246 : memref<1x50x64xf32, #tpu.memory_space<vmem>> -> memref<50x64xf32, #tpu.memory_space<vmem>>
      tpu.wait_dma2 semaphore(%arg13 : memref<!tpu.dma_semaphore, #tpu.memory_space<semaphore_mem>>) src(%dma_wait3A_247 : memref<50x64xf32, #tpu.memory_space<vmem>>) dst(%dma_wait3A_243 : memref<50x64xf32, #tpu.memory_space<hbm>>)
      %add3A_248 = arith.constant 4 : i32
      %add3A_249 = arith.addi %add3A_58, %add3A_248 : i32
      %add3A_250 = arith.constant 1 : i32
      %add3A_251 = arith.addi %add3A_249, %add3A_250 : i32
      %lt3A_252 = arith.constant 512 : i32
      %lt3A_253 = arith.cmpi slt, %add3A_251, %lt3A_252 : i32
      %convert_element_type3A_254 = arith.extui %lt3A_253 : i1 to i32
      %cond3A_255 = arith.constant 0 : i32
      %cond3A_256 = arith.cmpi ne, %convert_element_type3A_254, %cond3A_255 : i32
      scf.if %cond3A_256 {
        %add3A_311 = arith.constant 4 : i32
        %add3A_312 = arith.addi %add3A_58, %add3A_311 : i32
        %add3A_313 = arith.constant 1 : i32
        %add3A_314 = arith.addi %add3A_312, %add3A_313 : i32
        %dma_start3A_315 = arith.constant 1 : i32
        %dma_start3A_316 = arith.constant 0 : i32
        %dma_start3A_317 = arith.constant 0 : i32
        %dma_start3A_318 = tpu.memref_slice %arg6[%dma_start3A_315, %dma_start3A_316, %dma_start3A_317] : memref<4x50x128xf32, #tpu.memory_space<vmem>> -> memref<1x50x128xf32, #tpu.memory_space<vmem>>
        %dma_start3A_319 = tpu.memref_squeeze %dma_start3A_318 : memref<1x50x128xf32, #tpu.memory_space<vmem>> -> memref<50x128xf32, #tpu.memory_space<vmem>>
        %dma_start3A_320 = arith.constant 0 : i32
        %dma_start3A_321 = tpu.memref_slice %arg5[%add3A_314, %dma_start3A_320] : memref<512x50xi32, #tpu.memory_space<vmem>> -> memref<1x50xi32, #tpu.memory_space<vmem>>
        %dma_start3A_322 = tpu.memref_squeeze %dma_start3A_321 : memref<1x50xi32, #tpu.memory_space<vmem>> -> memref<50xi32, #tpu.memory_space<vmem>>
        %dma_start3A_323 = arith.constant 0 : i32
        %dma_start3A_324 = arith.constant 0 : i32
        %dma_start3A_325 = tpu.memref_slice %arg3[%dma_start3A_323, %dma_start3A_324] : memref<1000000x128xf32, #tpu.memory_space<hbm>> -> memref<1000000x128xf32, #tpu.memory_space<hbm>>
        tpu.enqueue_indirect_dma source(%dma_start3A_325 : memref<1000000x128xf32, #tpu.memory_space<hbm>>) target(%dma_start3A_319 : memref<50x128xf32, #tpu.memory_space<vmem>>) offsets(%dma_start3A_322 : memref<50xi32, #tpu.memory_space<vmem>>) semaphore(%arg9 : memref<!tpu.dma_semaphore, #tpu.memory_space<semaphore_mem>>)
      } else {
      }
      %dma_wait3A_257 = arith.constant 2 : i32
      %dma_wait3A_258 = arith.constant 0 : i32
      %dma_wait3A_259 = arith.constant 0 : i32
      %dma_wait3A_260 = arith.constant 0 : i32
      %dma_wait3A_261 = tpu.memref_slice %arg7[%dma_wait3A_257, %dma_wait3A_259, %dma_wait3A_260] : memref<4x50x64xf32, #tpu.memory_space<vmem>> -> memref<1x50x64xf32, #tpu.memory_space<vmem>>
      %dma_wait3A_262 = tpu.memref_squeeze %dma_wait3A_261 : memref<1x50x64xf32, #tpu.memory_space<vmem>> -> memref<50x64xf32, #tpu.memory_space<vmem>>
      %dma_wait3A_263 = arith.constant 0 : i32
      %dma_wait3A_264 = arith.constant 0 : i32
      %dma_wait3A_265 = tpu.memref_slice %arg4[%dma_wait3A_258, %dma_wait3A_263, %dma_wait3A_264] : memref<16384x50x64xf32, #tpu.memory_space<hbm>> -> memref<1x50x64xf32, #tpu.memory_space<hbm>>
      %dma_wait3A_266 = tpu.memref_squeeze %dma_wait3A_265 : memref<1x50x64xf32, #tpu.memory_space<hbm>> -> memref<50x64xf32, #tpu.memory_space<hbm>>
      %dma_wait3A_267 = arith.constant 0 : i32
      %dma_wait3A_268 = arith.constant 0 : i32
      %dma_wait3A_269 = tpu.memref_slice %arg4[%dma_wait3A_258, %dma_wait3A_267, %dma_wait3A_268] : memref<16384x50x64xf32, #tpu.memory_space<hbm>> -> memref<1x50x64xf32, #tpu.memory_space<hbm>>
      %dma_wait3A_270 = tpu.memref_squeeze %dma_wait3A_269 : memref<1x50x64xf32, #tpu.memory_space<hbm>> -> memref<50x64xf32, #tpu.memory_space<hbm>>
      %dma_wait3A_271 = arith.constant 0 : i32
      %dma_wait3A_272 = arith.constant 0 : i32
      %dma_wait3A_273 = tpu.memref_slice %arg7[%dma_wait3A_257, %dma_wait3A_271, %dma_wait3A_272] : memref<4x50x64xf32, #tpu.memory_space<vmem>> -> memref<1x50x64xf32, #tpu.memory_space<vmem>>
      %dma_wait3A_274 = tpu.memref_squeeze %dma_wait3A_273 : memref<1x50x64xf32, #tpu.memory_space<vmem>> -> memref<50x64xf32, #tpu.memory_space<vmem>>
      tpu.wait_dma2 semaphore(%arg14 : memref<!tpu.dma_semaphore, #tpu.memory_space<semaphore_mem>>) src(%dma_wait3A_274 : memref<50x64xf32, #tpu.memory_space<vmem>>) dst(%dma_wait3A_270 : memref<50x64xf32, #tpu.memory_space<hbm>>)
      %add3A_275 = arith.constant 4 : i32
      %add3A_276 = arith.addi %add3A_58, %add3A_275 : i32
      %add3A_277 = arith.constant 2 : i32
      %add3A_278 = arith.addi %add3A_276, %add3A_277 : i32
      %lt3A_279 = arith.constant 512 : i32
      %lt3A_280 = arith.cmpi slt, %add3A_278, %lt3A_279 : i32
      %convert_element_type3A_281 = arith.extui %lt3A_280 : i1 to i32
      %cond3A_282 = arith.constant 0 : i32
      %cond3A_283 = arith.cmpi ne, %convert_element_type3A_281, %cond3A_282 : i32
      scf.if %cond3A_283 {
        %add3A_311 = arith.constant 4 : i32
        %add3A_312 = arith.addi %add3A_58, %add3A_311 : i32
        %add3A_313 = arith.constant 2 : i32
        %add3A_314 = arith.addi %add3A_312, %add3A_313 : i32
        %dma_start3A_315 = arith.constant 2 : i32
        %dma_start3A_316 = arith.constant 0 : i32
        %dma_start3A_317 = arith.constant 0 : i32
        %dma_start3A_318 = tpu.memref_slice %arg6[%dma_start3A_315, %dma_start3A_316, %dma_start3A_317] : memref<4x50x128xf32, #tpu.memory_space<vmem>> -> memref<1x50x128xf32, #tpu.memory_space<vmem>>
        %dma_start3A_319 = tpu.memref_squeeze %dma_start3A_318 : memref<1x50x128xf32, #tpu.memory_space<vmem>> -> memref<50x128xf32, #tpu.memory_space<vmem>>
        %dma_start3A_320 = arith.constant 0 : i32
        %dma_start3A_321 = tpu.memref_slice %arg5[%add3A_314, %dma_start3A_320] : memref<512x50xi32, #tpu.memory_space<vmem>> -> memref<1x50xi32, #tpu.memory_space<vmem>>
        %dma_start3A_322 = tpu.memref_squeeze %dma_start3A_321 : memref<1x50xi32, #tpu.memory_space<vmem>> -> memref<50xi32, #tpu.memory_space<vmem>>
        %dma_start3A_323 = arith.constant 0 : i32
        %dma_start3A_324 = arith.constant 0 : i32
        %dma_start3A_325 = tpu.memref_slice %arg3[%dma_start3A_323, %dma_start3A_324] : memref<1000000x128xf32, #tpu.memory_space<hbm>> -> memref<1000000x128xf32, #tpu.memory_space<hbm>>
        tpu.enqueue_indirect_dma source(%dma_start3A_325 : memref<1000000x128xf32, #tpu.memory_space<hbm>>) target(%dma_start3A_319 : memref<50x128xf32, #tpu.memory_space<vmem>>) offsets(%dma_start3A_322 : memref<50xi32, #tpu.memory_space<vmem>>) semaphore(%arg10 : memref<!tpu.dma_semaphore, #tpu.memory_space<semaphore_mem>>)
      } else {
      }
      %dma_wait3A_284 = arith.constant 3 : i32
      %dma_wait3A_285 = arith.constant 0 : i32
      %dma_wait3A_286 = arith.constant 0 : i32
      %dma_wait3A_287 = arith.constant 0 : i32
      %dma_wait3A_288 = tpu.memref_slice %arg7[%dma_wait3A_284, %dma_wait3A_286, %dma_wait3A_287] : memref<4x50x64xf32, #tpu.memory_space<vmem>> -> memref<1x50x64xf32, #tpu.memory_space<vmem>>
      %dma_wait3A_289 = tpu.memref_squeeze %dma_wait3A_288 : memref<1x50x64xf32, #tpu.memory_space<vmem>> -> memref<50x64xf32, #tpu.memory_space<vmem>>
      %dma_wait3A_290 = arith.constant 0 : i32
      %dma_wait3A_291 = arith.constant 0 : i32
      %dma_wait3A_292 = tpu.memref_slice %arg4[%dma_wait3A_285, %dma_wait3A_290, %dma_wait3A_291] : memref<16384x50x64xf32, #tpu.memory_space<hbm>> -> memref<1x50x64xf32, #tpu.memory_space<hbm>>
      %dma_wait3A_293 = tpu.memref_squeeze %dma_wait3A_292 : memref<1x50x64xf32, #tpu.memory_space<hbm>> -> memref<50x64xf32, #tpu.memory_space<hbm>>
      %dma_wait3A_294 = arith.constant 0 : i32
      %dma_wait3A_295 = arith.constant 0 : i32
      %dma_wait3A_296 = tpu.memref_slice %arg4[%dma_wait3A_285, %dma_wait3A_294, %dma_wait3A_295] : memref<16384x50x64xf32, #tpu.memory_space<hbm>> -> memref<1x50x64xf32, #tpu.memory_space<hbm>>
      %dma_wait3A_297 = tpu.memref_squeeze %dma_wait3A_296 : memref<1x50x64xf32, #tpu.memory_space<hbm>> -> memref<50x64xf32, #tpu.memory_space<hbm>>
      %dma_wait3A_298 = arith.constant 0 : i32
      %dma_wait3A_299 = arith.constant 0 : i32
      %dma_wait3A_300 = tpu.memref_slice %arg7[%dma_wait3A_284, %dma_wait3A_298, %dma_wait3A_299] : memref<4x50x64xf32, #tpu.memory_space<vmem>> -> memref<1x50x64xf32, #tpu.memory_space<vmem>>
      %dma_wait3A_301 = tpu.memref_squeeze %dma_wait3A_300 : memref<1x50x64xf32, #tpu.memory_space<vmem>> -> memref<50x64xf32, #tpu.memory_space<vmem>>
      tpu.wait_dma2 semaphore(%arg15 : memref<!tpu.dma_semaphore, #tpu.memory_space<semaphore_mem>>) src(%dma_wait3A_301 : memref<50x64xf32, #tpu.memory_space<vmem>>) dst(%dma_wait3A_297 : memref<50x64xf32, #tpu.memory_space<hbm>>)
      %add3A_302 = arith.constant 4 : i32
      %add3A_303 = arith.addi %add3A_58, %add3A_302 : i32
      %add3A_304 = arith.constant 3 : i32
      %add3A_305 = arith.addi %add3A_303, %add3A_304 : i32
      %lt3A_306 = arith.constant 512 : i32
      %lt3A_307 = arith.cmpi slt, %add3A_305, %lt3A_306 : i32
      %convert_element_type3A_308 = arith.extui %lt3A_307 : i1 to i32
      %cond3A_309 = arith.constant 0 : i32
      %cond3A_310 = arith.cmpi ne, %convert_element_type3A_308, %cond3A_309 : i32
      scf.if %cond3A_310 {
        %add3A_311 = arith.constant 4 : i32
        %add3A_312 = arith.addi %add3A_58, %add3A_311 : i32
        %add3A_313 = arith.constant 3 : i32
        %add3A_314 = arith.addi %add3A_312, %add3A_313 : i32
        %dma_start3A_315 = arith.constant 3 : i32
        %dma_start3A_316 = arith.constant 0 : i32
        %dma_start3A_317 = arith.constant 0 : i32
        %dma_start3A_318 = tpu.memref_slice %arg6[%dma_start3A_315, %dma_start3A_316, %dma_start3A_317] : memref<4x50x128xf32, #tpu.memory_space<vmem>> -> memref<1x50x128xf32, #tpu.memory_space<vmem>>
        %dma_start3A_319 = tpu.memref_squeeze %dma_start3A_318 : memref<1x50x128xf32, #tpu.memory_space<vmem>> -> memref<50x128xf32, #tpu.memory_space<vmem>>
        %dma_start3A_320 = arith.constant 0 : i32
        %dma_start3A_321 = tpu.memref_slice %arg5[%add3A_314, %dma_start3A_320] : memref<512x50xi32, #tpu.memory_space<vmem>> -> memref<1x50xi32, #tpu.memory_space<vmem>>
        %dma_start3A_322 = tpu.memref_squeeze %dma_start3A_321 : memref<1x50xi32, #tpu.memory_space<vmem>> -> memref<50xi32, #tpu.memory_space<vmem>>
        %dma_start3A_323 = arith.constant 0 : i32
        %dma_start3A_324 = arith.constant 0 : i32
        %dma_start3A_325 = tpu.memref_slice %arg3[%dma_start3A_323, %dma_start3A_324] : memref<1000000x128xf32, #tpu.memory_space<hbm>> -> memref<1000000x128xf32, #tpu.memory_space<hbm>>
        tpu.enqueue_indirect_dma source(%dma_start3A_325 : memref<1000000x128xf32, #tpu.memory_space<hbm>>) target(%dma_start3A_319 : memref<50x128xf32, #tpu.memory_space<vmem>>) offsets(%dma_start3A_322 : memref<50xi32, #tpu.memory_space<vmem>>) semaphore(%arg11 : memref<!tpu.dma_semaphore, #tpu.memory_space<semaphore_mem>>)
      } else {
      }
    }
    %scan3A_53 = arith.constant 128 : i32
    return
  }
}

</mosaic_0001>

<sc_bundles>
// kernel: _lookup.3.cloned.1.call-start
scs
__scs_entry_jumppad:
0x0: {  	(pc) =	sbr.rel $0x88, $3  }
0x1: {  	(tag) =	ssettag $0x0;
	lr =	simm.s32 $0x1  }
0x2: {  	[smem:$0x3F9F] =	sst lr;
	_ =	strace $0xD0000000  }
0x3: {  	_ = 	snop  }
0x4: {  	_ = 	snop  }
0x5: {  	_ = 	snop  }
0x6: {  	_ = 	snop  }
0x7: {  	_ = 	snop  }
__scs_overlays_trampoline_lowered:
0x8: {  	[smem:$0x3FAE] =	sst s0  }
0x9: {  	[smem:$0x3FAF] =	sst s1  }
0xa: {  	[smem:$0x3FB0] =	sst s2  }
0xb: {  	[smem:$0x3FB1] =	sst s3  }
0xc: {  	[smem:$0x3FB2] =	sst s4  }
0xd: {  	[smem:$0x3FB3] =	sst s5  }
0xe: {  	[smem:$0x3FB4] =	sst s6  }
0xf: {  	[smem:$0x3FB5] =	sst s7  }
0x10: {  	[smem:$0x3FB6] =	sst s8  }
0x11: {  	[smem:$0x3FB7] =	sst s9;
	s0 =	simm.s32 @!p0 $0x0  }
0x12: {  	s1 =	sld [smem:$0x3F9D];
	s0 =	simm.s32 @p0 $0x1  }
0x13: {  	[smem:$0x3FB8] =	sst s0;
	s0 =	simm.s32 @!p1 $0x0  }
0x14: {  	s2 =	sld [smem:$0x3F9C];
	s0 =	simm.s32 @p1 $0x1  }
0x15: {  	[smem:$0x3FB9] =	sst s0;
	s0 =	simm.s32 @!p2 $0x0  }
0x16: {  	s3 =	sld [smem:$0x3FDB];
	s0 =	simm.s32 @p2 $0x1  }
0x17: {  	s4 =	simm.s32 $0x1BF5;
	[smem:$0x3FBB] =	sst s0  }
0x18: {  	s0 =	sld [smem:$0x3F9E];
	_ =	swait.ge [sflag:s4], $0x0  }
0x19: {  	s7 =	sld [smem:$0x3F9F]  }
0x1a: {  	s8 =	sadd.s32 $0xFFFFE003, lr  }
0x1b: {  	s9 =	sadd.s32 $0xFFFFFEF7, lr;
	s5 =	simm.s32 $0xFFFFFFFF;
	p2 =	slt.u32 s8, $0xFFFFF086  }
0x1c: {  	p1 =	slt.u32 s9, $0xF7A;
	s5 =	simm.s32 @!p2 $0x0  }
0x1d: {  	s5 =	simm.s32 @p1 $0x1;
	p0 =	seq.s32 s7, s2  }
0x1e: {  	s7 =	smul.u32 @!p0 $0xF7A, s2;
	p2 =	seq.s32 @!p0 s5, $0x0  }
0x1f: {  	s9 =	smul.u32 $0xF7A, s1;
	s8 =	simm.s32 @!p0 $0x1BF5;
	p2 =	por !p2, p0  }
0x20: {  	[sflag:s8] =	ssyncset.s32 @!p0 $0xFFFFF086;
	s6 =	sadd.s32 @!p0 s3, s7;
	s7 =	simm.s32 @!p0 $0x108  }
0x21: {  	s3 =	sadd.s32 s3, s9;
	s6 =	sadd.s32 @!p0 $0x88, s6;
	s7 =	simm.s32 @p2 $0x1082  }
0x22: {  	[simem:s7], [sflag:s8] =	dma.local @!p0 [hbm:s6], $0xF7A  }
0x23: {  	s9 =	sor.u32 $0xD0000000, s2;
	s6 =	simm.s32 $0x108;
	_ =	swait.ge @!p0 [sflag:s8], $0x0  }
0x24: {  	s3 =	sadd.s32 $0x88, s3;
	s6 =	simm.s32 @!p1 $0x1082;
	[sflag:s4] =	ssyncset.s32 $0xFFFFF086  }
0x25: {  	[simem:s6], [sflag:s4] =	dma.local [hbm:s3], $0xF7A  }
0x26: {  	[smem:$0x3F9F] =	sst s1;
	(tag) =	ssettag s2;
	_ =	strace s9  }
0x27: {  	s1 =	sld [smem:$0x3FAF]  }
0x28: {  	s2 =	sld [smem:$0x3FB0]  }
0x29: {  	s4 =	sld [smem:$0x3FB2]  }
0x2a: {  	p0 =	seq.s32 s5, $0x0;
	s5 =	sld [smem:$0x3FB3]  }
0x2b: {  	s6 =	sld [smem:$0x3FB4]  }
0x2c: {  	s7 =	sld [smem:$0x3FB5]  }
0x2d: {  	s3 =	simm.s32 $0x108;
	s8 =	sld [smem:$0x3FB6]  }
0x2e: {  	s3 =	simm.s32 @!p0 $0x1082;
	s9 =	sld [smem:$0x3FB7]  }
0x2f: {  	lr =	sadd.s32 s0, s3;
	s0 =	sld [smem:$0x3FAE]  }
0x30: {  	s3 =	sld [smem:$0x3FB1]  }
0x31: {  	[smem:$0x3FBA] =	sst s10  }
0x32: {  	s10 =	sld [smem:$0x3FB8];
	_ =	sdelay $0x3  }
0x33: {  	p0 =	seq.s32 s10, $0x1;
	s10 =	sld [smem:$0x3FBA];
	_ =	sdelay $0x3  }
0x34: {  	[smem:$0x3FBA] =	sst s10  }
0x35: {  	s10 =	sld [smem:$0x3FB9];
	_ =	sdelay $0x3  }
0x36: {  	p1 =	seq.s32 s10, $0x1;
	s10 =	sld [smem:$0x3FBA];
	_ =	sdelay $0x3  }
0x37: {  	[smem:$0x3FBA] =	sst s10  }
0x38: {  	s10 =	sld [smem:$0x3FBB]  }
0x39: {  	_ = 	snop;
	(pc) =	sbr.ind lr, $3  }
0x3a: {  	_ = 	snop  }
0x3b: {  	_ = 	snop  }
0x3c: {  	p2 =	seq.s32 s10, $0x1;
	s10 =	sld [smem:$0x3FBA]  }
0x3d: {  	_ =	shalt  }
0x3e: {  	_ =	shalt  }
0x3f: {  	_ =	shalt  }
0x40: {  	_ =	shalt  }
0x41: {  	_ =	shalt  }
0x42: {  	_ =	shalt  }
0x43: {  	_ =	shalt  }
0x44: {  	_ =	shalt  }
0x45: {  	_ =	shalt  }
0x46: {  	_ =	shalt  }
0x47: {  	_ =	shalt  }
0x48: {  	_ =	shalt  }
0x49: {  	_ =	shalt  }
0x4a: {  	_ =	shalt  }
0x4b: {  	_ =	shalt  }
0x4c: {  	_ =	shalt  }
0x4d: {  	_ =	shalt  }
0x4e: {  	_ =	shalt  }
0x4f: {  	_ =	shalt  }
0x50: {  	_ =	shalt  }
0x51: {  	_ =	shalt  }
0x52: {  	_ =	shalt  }
0x53: {  	_ =	shalt  }
0x54: {  	_ =	shalt  }
0x55: {  	_ =	shalt  }
0x56: {  	_ =	shalt  }
0x57: {  	_ =	shalt  }
0x58: {  	_ =	shalt  }
0x59: {  	_ =	shalt  }
0x5a: {  	_ =	shalt  }
0x5b: {  	_ =	shalt  }
0x5c: {  	_ =	shalt  }
0x5d: {  	_ =	shalt  }
0x5e: {  	_ =	shalt  }
0x5f: {  	_ =	shalt  }
0x60: {  	_ =	shalt  }
0x61: {  	_ =	shalt  }
0x62: {  	_ =	shalt  }
0x63: {  	_ =	shalt  }
0x64: {  	_ =	shalt  }
0x65: {  	_ =	shalt  }
0x66: {  	_ =	shalt  }
0x67: {  	_ =	shalt  }
0x68: {  	_ =	shalt  }
0x69: {  	_ =	shalt  }
0x6a: {  	_ =	shalt  }
0x6b: {  	_ =	shalt  }
0x6c: {  	_ =	shalt  }
0x6d: {  	_ =	shalt  }
0x6e: {  	_ =	shalt  }
0x6f: {  	_ =	shalt  }
0x70: {  	_ =	shalt  }
0x71: {  	_ =	shalt  }
0x72: {  	_ =	shalt  }
0x73: {  	_ =	shalt  }
0x74: {  	_ =	shalt  }
0x75: {  	_ =	shalt  }
0x76: {  	_ =	shalt  }
0x77: {  	_ =	shalt  }
0x78: {  	_ =	shalt  }
0x79: {  	_ =	shalt  }
0x7a: {  	_ =	shalt  }
0x7b: {  	_ =	shalt  }
0x7c: {  	_ =	shalt  }
0x7d: {  	_ =	shalt  }
0x7e: {  	_ =	shalt  }
0x7f: {  	_ =	shalt  }
0x80: {  	_ =	shalt  }
0x81: {  	_ =	shalt  }
0x82: {  	_ =	shalt  }
0x83: {  	_ =	shalt  }
0x84: {  	_ =	shalt  }
0x85: {  	_ =	shalt  }
0x86: {  	_ =	shalt  }
0x87: {  	_ =	shalt  }
.Lfunc_end0:
.L_simem_size_0:
called_computation_lowered:
.L_overlay_start_0:
0x88: {  	s2 =	sld [smem:$0x3FD9]  }
0x89: {  	s3 =	sld [smem:$0x3FFE];
	_ =	sdelay $0x1  }
0x8a: {  	s1 =	srdreg.scid  }
0x8b: {  	s0 =	sand.u32 $0x1, s1  }
0x8c: {  	s17 =	sshll.u32 s0, $0xA;
	s2 =	sadd.s32 s3, s2  }
0x8d: {  	s2 =	sadd.s32 s2, s17  }
0x8e: {  	[smem:$0x3FC6] =	sst s2  }
0x8f: {  	_ = 	snop  }
0x90: {  	s2 =	sld [smem:$0x3FD0];
	(tm) =	ssettm $0x1  }
0x91: {  	s18 =	sld [smem:$0x3FFB];
	_ =	sdelay $0x3  }
0x92: {  	_ =	strace s18  }
0x93: {  	s3 =	sld [smem:$0x3FFC];
	_ =	sdelay $0x3  }
0x94: {  	_ =	strace s3  }
0x95: {  	s3 =	sld [smem:$0x3FFD];
	_ =	sdelay $0x3  }
0x96: {  	_ =	strace s3  }
0x97: {  	_ =	strace $0x8FFFFFFF  }
0x98: {  	s19 =	sld [smem:$0x3FDB];
	_ =	sdelay $0x1  }
0x99: {  	s4 =	simm.s32 $_scs_section_size  }
0x9a: {  	s5 =	simm.s32 $_size__tile_overlayer_lowered;
	s6 =	simm.s32 $_tile_overlayer_lowered  }
0x9b: {  	s22 =	simm.s32 $0x1BFF;
	s21 =	sshll.u32 s6, $0x1;
	s3 =	sadd.s32 s4, s19  }
0x9c: {  	s7 =	simm.s32 $0x0;
	s20 =	sshll.u32 s5, $0x1;
	s5 =	sadd.s32 s21, s3  }
0x9d: {  	[timem:s7], [sflag:s22] =	dma.local [hbm:s5], s20  }
0x9e: {  	_ =	swait.ge [sflag:s22], s20  }
0x9f: {  	s4 =	ssub.s32 $0x0, s20;
	[sflag:s22] =	ssyncset.done $0x0  }
0xa0: {  	[sflag:s22] =	ssyncadd.s32 s4;
	_ =	sdelay $0x1  }
0xa1: {  	s23 =	simm.s32 $0x1B8B  }
0xa2: {  	_ =	swait.ge [sflag:s23], $0x1  }
0xa3: {  	[sflag:s23] =	ssyncset.done $0x0  }
0xa4: {  	s25 =	simm.s32 $0x1B8E;
	s24 =	sld [smem:$0x3FFE];
	[sflag:s23] =	ssyncadd.s32 $0xFFFFFFFF  }
0xa5: {  	s26 =	simm.s32 $execute0_lowered;
	[smem:$0x3FD2] =	sst s25  }
0xa6: {  	s5 =	sshll.u32 s26, $0x1;
	_ =	strace $0x80000046;
	[dreg:$0x1] =	wrdreg $0xFFFFFFFF  }
0xa7: {  	s28 =	simm.s32 $_size_execute0_lowered;
	s3 =	sadd.s32 s3, s5;
	[dreg:$0x0] =	wrdreg $0x0  }
0xa8: {  	s5 =	sshll.u32 s28, $0x1;
	[dreg:$0x2] =	wrdreg s3  }
0xa9: {  	[dreg:$0x3] =	wrdreg s5  }
0xaa: {  	[dreg:$0x4] =	wrdreg $0xC0  }
0xab: {  	_ =	task [dreg:s7], $0x5FFFF  }
0xac: {  	[dreg:$0x1] =	wrdreg $0xFFFFFFFF  }
0xad: {  	[dreg:$0x0] =	wrdreg $0x60  }
0xae: {  	[dreg:$0x2] =	wrdreg s2  }
0xaf: {  	[dreg:$0x3] =	wrdreg s24  }
0xb0: {  	[dreg:$0x4] =	wrdreg $0x9  }
0xb1: {  	_ =	task.clear_ibuf [dreg:s7], $0x5FFFF;
	_ =	strace $0x90000046  }
0xb2: {  	s29 =	simm.s32 $0x9;
	_ =	strace $0x80000048  }
0xb3: {  	_ =	swait.ge [sflag:s29], $0x1  }
0xb4: {  	[sflag:s29] =	ssyncadd.s32 $0xFFFFFFFF  }
0xb5: {  	_ =	strace $0x90000048  }
0xb6: {  	_ =	sfence  }
0xb7: {  	s30 =	sld [smem:$0x0];
	_ =	sdelay $0x2  }
0xb8: {  	s31 =	sshll.u32 s1, $0xD;
	s1 =	sshrl.u32 s1, $0x2  }
0xb9: {  	s3 =	sand.u32 $0x4000, s31;
	s1 =	sadd.s32 s1, s30  }
0xba: {  	s0 =	sor.u32 s3, s0;
	s1 =	sshll.u32 s1, $0x11  }
0xbb: {  	s0 =	sor.u32 s1, s0  }
0xbc: {  	s0 =	sadd.s32 $0x8F2B, s0  }
0xbd: {  	[sflag:s0] =	ssyncadd.remote.s32 $0x1  }
0xbe: {  	_ =	sfence.sel $0xFFFF  }
0xbf: {  	[dreg:$0x0] =	wrdreg $0xFFFFFFFF;
	(pc) =	sbr.abs _section_cstart, $3  }
0xc0: {  	[dreg:$0x1] =	wrdreg $0xFFFFFFFF  }
0xc1: {  	_ =	task.clear_ibuf [dreg:s7], $0x2FFFF;
	_ =	strace $0x9FFFFFFF  }
0xc2: {  	(tm) =	ssettm $0x7FFFFFFF  }
0xc3: {  	_ =	shalt  }
tec
execute0_lowered:
.L_overlay_start_1:
0x0: {  	(tag) =	ssettag $0x1  }
0x1: {  	s0 =	rddreg [dreg:$0x0]  }
0x2: {  	s1 =	rddreg [dreg:$0x1];
	s2 =	simm.s32 $0x0;
	s3 =	srdreg.scid  }
0x3: {  	s4 =	stileid.u32;
	s8 =	simm.s32 $0x9;
	s9 =	simm.s32 $0x32  }
0x4: {  	s10 =	simm.s32 $0x10000;
	s12 =	simm.s32 $0x11C00;
	s14 =	simm.s32 $0x13800  }
0x5: {  	s15 =	simm.s32 $0x180;
	s16 =	simm.s32 $0x15400;
	s17 =	simm.s32 $0x1  }
0x6: {  	s18 =	simm.s32 $0x17000;
	s19 =	simm.s32 $0x2;
	s20 =	simm.s32 $0x18C00  }
0x7: {  	s21 =	simm.s32 $0x3;
	s22 =	simm.s32 $0x1A800;
	s23 =	simm.s32 $0x4  }
0x8: {  	s24 =	simm.s32 $0x1C400;
	s25 =	simm.s32 $0x5;
	s28 =	simm.s32 $0x7  }
0x9: {  	s29 =	simm.s32 $0x8;
	s30 =	simm.s32 $0x0;
	[smem:$0x7FF] =	sst s2  }
.Ltmp0:
0xa: {  	s3 =	sand.u32 $0x1, s3;
	s4 =	sshll.u32 s4, $0xA;
	(pc) =	sbr.rel .LBB2_1-.Ltmp0, $4  }
0xb: {  	_ =	strace $0x80000047;
	s6 =	ssub.s32 $0x2, s3;
	s5 =	sshll.u32 s3, $0x9  }
0xc: {  	s3 =	sadd.s32 $0xF42A00, s1;
	s7 =	sshrl.u32 s6, $0x1;
	s4 =	sor.u32 s5, s4  }
0xd: {  	s5 =	sadd.s32 $0x600, s1;
	s26 =	ssub.s32 s6, s7;
	s31 =	sshll.u32 s4, $0x4  }
0xe: {  	s6 =	sadd.s32 s0, s31;
	s7 =	smax.u32 s26, $0x1;
	s26 =	simm.s32 $0x6  }
.LBB2_12:
0xf: {  	_ =	swait.ge [sflag:s26], $0x1900  }
0x10: {  	[sflag:s26] =	ssyncset.done $0x0  }
0x11: {  	s30 =	sadd.s32 $0x1, s30;
	[sflag:s26] =	ssyncadd.s32 $0xFFFFE700  }
0x12: {  	p0 =	sne.s32 s30, s7;
	_ =	swait.ge [sflag:s28], $0x1900  }
.Ltmp1:
0x13: {  	[sflag:s28] =	ssyncset.done $0x0;
	(pc) =	sbr.rel @!p0 .LBB2_13-.Ltmp1, $4  }
0x14: {  	[sflag:s28] =	ssyncadd.s32 $0xFFFFE700  }
0x15: {  	_ =	swait.ge [sflag:s29], $0x1900  }
0x16: {  	[sflag:s29] =	ssyncset.done $0x0  }
0x17: {  	[sflag:s29] =	ssyncadd.s32 $0xFFFFE700  }
.LBB2_1:
0x18: {  	[tilespmem:s2], [sflag:$0x9] =	stream.linear.gather [hbm4b:s6+s2], $0x10000, $0x38;
	[tilespmem:$0x1E000] =	vst v63  }
0x19: {  	_ =	swait.ge [sflag:s8], $0x10000  }
0x1a: {  	[sflag:s8] =	ssyncset.done $0x0  }
0x1b: {  	[sflag:s8] =	ssyncadd.s32 $0xFFFF0000  }
0x1c: {  	[tilespmem:s10], [sflag:$0x1] =	stream.indirect.gather [hbm4b:s3+s9], $0x80, s2, s9, $0xb8;
	[tilespmem:$0x1E000] =	vst v63  }
0x1d: {  	s0 =	simm.s32 $0x80  }
0x1e: {  	[tilespmem:s12], [sflag:$0x2] =	stream.indirect.gather [hbm4b:s3+s9], $0x80, s0, s9, $0xb8;
	[tilespmem:$0x1E000] =	vst v63  }
0x1f: {  	s13 =	simm.s32 $0x100  }
0x20: {  	[tilespmem:s14], [sflag:$0x3] =	stream.indirect.gather [hbm4b:s3+s9], $0x80, s13, s9, $0xb8;
	[tilespmem:$0x1E000] =	vst v63  }
0x21: {  	s31 =	simm.s32 $0x0  }
0x22: {  	[tilespmem:s16], [sflag:$0x4] =	stream.indirect.gather [hbm4b:s3+s9], $0x80, s15, s9, $0xb8;
	[tilespmem:$0x1E000] =	vst v63  }
.LBB2_2:
0x23: {  	_ =	swait.ge [sflag:s17], $0x1900  }
0x24: {  	[sflag:s17] =	ssyncset.done $0x0  }
0x25: {  	s1 =	simm.s32 $0x0;
	[sflag:s17] =	ssyncadd.s32 $0xFFFFE700  }
0x26: {  	v2 =	vld [tilespmem:s1+$0x10030]  }
0x27: {  	v1 =	vld [tilespmem:s1+$0x10000]  }
0x28: {  	v0 =	vld [tilespmem:s1+$0x10010]  }
0x29: {  	s0 =	simm.s32 $0x200;
	v3 =	vld [tilespmem:s1+$0x10020]  }
.LBB2_3:
0x2a: {  	p0 =	sne.s32 s0, $0x6200  }
.Ltmp2:
0x2b: {  	s11 =	sshra.s32 s0, $0x2;
	s0 =	sadd.s32 $0x200, s0;
	[tilespmem:s1+$0x17030] =	vst v2;
	(pc) =	sbr.rel @p0 .LBB2_3-.Ltmp2, $4  }
0x2c: {  	v2 =	vld [tilespmem:s11+$0x10030];
	[tilespmem:s1+$0x17000] =	vst v1  }
0x2d: {  	v1 =	vld [tilespmem:s11+$0x10000];
	[tilespmem:s1+$0x17010] =	vst v0  }
0x2e: {  	v0 =	vld [tilespmem:s11+$0x10010];
	[tilespmem:s1+$0x17020] =	vst v3;
	s1 =	smov.u32 s11  }
0x2f: {  	v3 =	vld [tilespmem:s1+$0x10020]  }
0x30: {  	s0 =	sshll.u32 s31, $0x2  }
0x31: {  	[tilespmem:s1+$0x17030] =	vst v2;
	s0 =	sadd.s32 s4, s0  }
0x32: {  	[tilespmem:s1+$0x17000] =	vst v1;
	s11 =	smul.u32 $0x380, s0  }
0x33: {  	[tilespmem:s1+$0x17010] =	vst v0  }
0x34: {  	s13 =	simm.s32 $0x0;
	[tilespmem:s1+$0x17020] =	vst v3;
	s11 =	sadd.s32 s5, s11  }
0x35: {  	[hbm4b:s11+s13] =	stream.linear.scatter [tilespmem:s18], [sflag:$0x5], $0x1900, $0x38;
	[tilespmem:$0x1E000] =	vst v63  }
0x36: {  	_ =	swait.ge [sflag:s19], $0x1900  }
0x37: {  	[sflag:s19] =	ssyncset.done $0x0  }
0x38: {  	s1 =	simm.s32 $0x0;
	[sflag:s19] =	ssyncadd.s32 $0xFFFFE700  }
0x39: {  	v1 =	vld [tilespmem:s1+$0x11C30]  }
0x3a: {  	v2 =	vld [tilespmem:s1+$0x11C00]  }
0x3b: {  	v0 =	vld [tilespmem:s1+$0x11C10]  }
0x3c: {  	s11 =	simm.s32 $0x200;
	v3 =	vld [tilespmem:s1+$0x11C20]  }
.LBB2_5:
0x3d: {  	p0 =	sne.s32 s11, $0x6200  }
.Ltmp3:
0x3e: {  	s13 =	sshra.s32 s11, $0x2;
	s11 =	sadd.s32 $0x200, s11;
	[tilespmem:s1+$0x18C30] =	vst v1;
	(pc) =	sbr.rel @p0 .LBB2_5-.Ltmp3, $4  }
0x3f: {  	v1 =	vld [tilespmem:s13+$0x11C30];
	[tilespmem:s1+$0x18C00] =	vst v2  }
0x40: {  	v2 =	vld [tilespmem:s13+$0x11C00];
	[tilespmem:s1+$0x18C10] =	vst v0  }
0x41: {  	v0 =	vld [tilespmem:s13+$0x11C10];
	[tilespmem:s1+$0x18C20] =	vst v3;
	s1 =	smov.u32 s13  }
0x42: {  	v3 =	vld [tilespmem:s1+$0x11C20]  }
0x43: {  	s0 =	smul.u32 $0x1C00, s0  }
0x44: {  	[tilespmem:s1+$0x18C30] =	vst v1  }
0x45: {  	[tilespmem:s1+$0x18C00] =	vst v2;
	s0 =	sshrl.u32 s0, $0x3  }
0x46: {  	[tilespmem:s1+$0x18C10] =	vst v0;
	s0 =	sadd.s32 s5, s0  }
0x47: {  	s11 =	simm.s32 $0x0;
	[tilespmem:s1+$0x18C20] =	vst v3;
	s13 =	sadd.s32 $0x380, s0  }
0x48: {  	[hbm4b:s13+s11] =	stream.linear.scatter [tilespmem:s20], [sflag:$0x6], $0x1900, $0x38;
	[tilespmem:$0x1E000] =	vst v63  }
0x49: {  	_ =	swait.ge [sflag:s21], $0x1900  }
0x4a: {  	[sflag:s21] =	ssyncset.done $0x0  }
0x4b: {  	s1 =	simm.s32 $0x0;
	[sflag:s21] =	ssyncadd.s32 $0xFFFFE700  }
0x4c: {  	v0 =	vld [tilespmem:s1+$0x13830]  }
0x4d: {  	v1 =	vld [tilespmem:s1+$0x13800]  }
0x4e: {  	v2 =	vld [tilespmem:s1+$0x13810]  }
0x4f: {  	s11 =	simm.s32 $0x200;
	v3 =	vld [tilespmem:s1+$0x13820]  }
.LBB2_7:
0x50: {  	p0 =	sne.s32 s11, $0x6200  }
.Ltmp4:
0x51: {  	s13 =	sshra.s32 s11, $0x2;
	s11 =	sadd.s32 $0x200, s11;
	[tilespmem:s1+$0x1A830] =	vst v0;
	(pc) =	sbr.rel @p0 .LBB2_7-.Ltmp4, $4  }
0x52: {  	v0 =	vld [tilespmem:s13+$0x13830];
	[tilespmem:s1+$0x1A800] =	vst v1  }
0x53: {  	v1 =	vld [tilespmem:s13+$0x13800];
	[tilespmem:s1+$0x1A810] =	vst v2  }
0x54: {  	v2 =	vld [tilespmem:s13+$0x13810];
	[tilespmem:s1+$0x1A820] =	vst v3;
	s1 =	smov.u32 s13  }
0x55: {  	v3 =	vld [tilespmem:s1+$0x13820]  }
0x56: {  	_ = 	snop  }
0x57: {  	[tilespmem:s1+$0x1A830] =	vst v0  }
0x58: {  	[tilespmem:s1+$0x1A800] =	vst v1  }
0x59: {  	[tilespmem:s1+$0x1A810] =	vst v2  }
0x5a: {  	s13 =	sadd.s32 $0x700, s0;
	s11 =	simm.s32 $0x0;
	[tilespmem:s1+$0x1A820] =	vst v3  }
0x5b: {  	[hbm4b:s13+s11] =	stream.linear.scatter [tilespmem:s22], [sflag:$0x7], $0x1900, $0x38;
	[tilespmem:$0x1E000] =	vst v63  }
0x5c: {  	_ =	swait.ge [sflag:s23], $0x1900  }
0x5d: {  	[sflag:s23] =	ssyncset.done $0x0  }
0x5e: {  	s1 =	simm.s32 $0x0;
	[sflag:s23] =	ssyncadd.s32 $0xFFFFE700  }
0x5f: {  	v0 =	vld [tilespmem:s1+$0x15430]  }
0x60: {  	v1 =	vld [tilespmem:s1+$0x15400]  }
0x61: {  	v2 =	vld [tilespmem:s1+$0x15410]  }
0x62: {  	s11 =	simm.s32 $0x200;
	v3 =	vld [tilespmem:s1+$0x15420]  }
.LBB2_9:
0x63: {  	p0 =	sne.s32 s11, $0x6200  }
.Ltmp5:
0x64: {  	s13 =	sshra.s32 s11, $0x2;
	s11 =	sadd.s32 $0x200, s11;
	[tilespmem:s1+$0x1C430] =	vst v0;
	(pc) =	sbr.rel @p0 .LBB2_9-.Ltmp5, $4  }
0x65: {  	v0 =	vld [tilespmem:s13+$0x15430];
	[tilespmem:s1+$0x1C400] =	vst v1  }
0x66: {  	v1 =	vld [tilespmem:s13+$0x15400];
	[tilespmem:s1+$0x1C410] =	vst v2  }
0x67: {  	v2 =	vld [tilespmem:s13+$0x15410];
	[tilespmem:s1+$0x1C420] =	vst v3;
	s1 =	smov.u32 s13  }
0x68: {  	v3 =	vld [tilespmem:s1+$0x15420]  }
0x69: {  	_ = 	snop  }
0x6a: {  	[tilespmem:s1+$0x1C430] =	vst v0  }
0x6b: {  	[tilespmem:s1+$0x1C400] =	vst v1  }
0x6c: {  	p0 =	seq.s32 s31, $0x7F;
	[tilespmem:s1+$0x1C410] =	vst v2  }
.Ltmp6:
0x6d: {  	s0 =	sadd.s32 $0xA80, s0;
	[tilespmem:s1+$0x1C420] =	vst v3;
	(pc) =	sbr.rel @p0 .LBB2_12-.Ltmp6, $4  }
0x6e: {  	[hbm4b:s0+s2] =	stream.linear.scatter [tilespmem:s24], [sflag:$0x8], $0x1900, $0x38;
	[tilespmem:$0x1E000] =	vst v63  }
0x6f: {  	_ =	swait.ge [sflag:s25], $0x1900  }
0x70: {  	[sflag:s25] =	ssyncset.done $0x0  }
0x71: {  	[sflag:s25] =	ssyncadd.s32 $0xFFFFE700  }
0x72: {  	s0 =	sshll.u32 s31, $0x9  }
0x73: {  	s0 =	sand.u32 $0x3FFFFE00, s0  }
0x74: {  	s1 =	sadd.s32 $0x200, s0  }
0x75: {  	[tilespmem:s10], [sflag:$0x1] =	stream.indirect.gather [hbm4b:s3+s9], $0x80, s1, s9, $0xb8;
	[tilespmem:$0x1E000] =	vst v63  }
0x76: {  	_ =	swait.ge [sflag:s26], $0x1900  }
0x77: {  	[sflag:s26] =	ssyncset.done $0x0  }
0x78: {  	s11 =	sadd.s32 $0x280, s0;
	[sflag:s26] =	ssyncadd.s32 $0xFFFFE700  }
0x79: {  	[tilespmem:s12], [sflag:$0x2] =	stream.indirect.gather [hbm4b:s3+s9], $0x80, s11, s9, $0xb8;
	[tilespmem:$0x1E000] =	vst v63  }
0x7a: {  	_ =	swait.ge [sflag:s28], $0x1900  }
0x7b: {  	[sflag:s28] =	ssyncset.done $0x0  }
0x7c: {  	s13 =	sadd.s32 $0x300, s0;
	[sflag:s28] =	ssyncadd.s32 $0xFFFFE700  }
0x7d: {  	[tilespmem:s14], [sflag:$0x3] =	stream.indirect.gather [hbm4b:s3+s9], $0x80, s13, s9, $0xb8;
	[tilespmem:$0x1E000] =	vst v63  }
.Ltmp7:
0x7e: {  	_ = 	snop;
	(pc) =	sbr.rel .LBB2_2-.Ltmp7, $4  }
0x7f: {  	_ =	swait.ge [sflag:s29], $0x1900  }
0x80: {  	[sflag:s29] =	ssyncset.done $0x0  }
0x81: {  	s31 =	sadd.s32 $0x1, s31;
	s0 =	sadd.s32 $0x380, s0;
	[sflag:s29] =	ssyncadd.s32 $0xFFFFE700  }
0x82: {  	[tilespmem:s16], [sflag:$0x4] =	stream.indirect.gather [hbm4b:s3+s9], $0x80, s0, s9, $0xb8;
	[tilespmem:$0x1E000] =	vst v63  }
.LBB2_13:
0x83: {  	_ =	sfence.sel $0x180000  }
0x84: {  	[bflag:$0x0] =	sbarrier.arrive $0xFFFF  }
0x85: {  	_ =	strace $0x90000047  }
0x86: {  	s0 =	stileid.u32;
	[bflag:$0x2] =	sbarrier.arrive $0xFFFF  }
0x87: {  	p0 =	sne.s32 s0, $0x0;
	s0 =	rddreg [dreg:$0x2]  }
0x88: {  	s0 =	sadd.s32 @!p0 $0x100000, s0  }
0x89: {  	[sflag:s0] =	ssyncadd.tile.s32 @!p0 $0x1;
	_ =	shalt  }
.Lfunc_end2:
_tile_overlayer_lowered:
.L_overlay_start_2:
0x8a: {  	(tag) =	ssettag $0x2  }
0x8b: {  	s0 =	rddreg [dreg:$0x0];
	s2 =	stileid.u32  }
0x8c: {  	s1 =	rddreg [dreg:$0x1];
	p0 =	sne.s32 s2, $0x0  }
0x8d: {  	s3 =	rddreg [dreg:$0x2];
	[bflag:$0x3] =	sbarrier.arrive $0xFFFF;
	s2 =	simm.s32 @!p0 $0x1C09  }
0x8e: {  	[timem:s3], [sflag:s2] =	dma.local @!p0 [hbm:s0], s1  }
0x8f: {  	s0 =	simm.s32 @!p0 $0x9  }
0x90: {  	_ =	swait.ge @!p0 [sflag:s0], s1  }
0x91: {  	s1 =	ssub.s32 @!p0 $0x0, s1;
	[sflag:s0] =	ssyncset.done @!p0 $0x0  }
0x92: {  	[sflag:s0] =	ssyncadd.s32 @!p0 s1  }
0x93: {  	[bflag:$0x3] =	sbarrier.arrive $0xFFFF  }
0x94: {  	_ =	shalt  }

</sc_bundles>
